<compile_context>
chip_gen: v7x
topology: tpu7x:2x2x1
jax: 0.10.2.dev20260603
libtpu: 0.0.44.dev20260713+nightly
codegen_flags: <defaults>
</compile_context>

<pallas_src>
import dataclasses
import functools

import jax
import jax.numpy as jnp
from jax import lax
from jax.experimental import pallas as pl
from jax.experimental.pallas import tpu as pltpu
from jax.experimental.pallas import tpu_sc as plsc

N = 8192
E = 256
BETA = 0.25
BM = 256
NI = N // BM
NW = 32
RPW = N // NW
CH = 128
NCH = RPW // CH
L = 16


def _normalize_rows(x):
    n = jnp.linalg.norm(x, ord=2, axis=-1, keepdims=True)
    return x / jnp.maximum(n, 1e-12)



def _k1_body(zb_ref, cn_ref, idx_ref, m_ref, nz_ref):
    zb = zb_ref[...]
    nrm = jnp.sqrt(jnp.sum(zb * zb, axis=1, keepdims=True))
    z16 = (zb / jnp.maximum(nrm, 1e-12)).astype(jnp.bfloat16)
    nz_ref[...] = nrm[:, 0]
    s = lax.dot_general(z16, cn_ref[...], (((1,), (1,)), ((), ())),
                        preferred_element_type=jnp.float32)
    H = N // 2
    s0, s1 = s[:, :H], s[:, H:]
    m0 = jnp.max(s0, axis=1, keepdims=True)
    m1 = jnp.max(s1, axis=1, keepdims=True)
    cols = lax.broadcasted_iota(jnp.int32, (BM, H), 1)
    li0 = jnp.min(jnp.where(s0 == m0, cols, H), axis=1, keepdims=True)
    li1 = jnp.min(jnp.where(s1 == m1, cols, H), axis=1, keepdims=True)
    use1 = m1 > m0.astype(jnp.bfloat16).astype(jnp.float32)
    li = jnp.where(use1, li1 + H, li0)
    m = jnp.where(use1, m1, m0)
    idx_ref[...] = li[:, 0]
    m_ref[...] = m[:, 0]


def _k1(z, cn16):
    return pl.pallas_call(
        _k1_body,
        grid=(NI,),
        in_specs=[
            pl.BlockSpec((BM, E), lambda i: (i, 0)),
            pl.BlockSpec((N, E), lambda i: (0, 0)),
        ],
        out_specs=[
            pl.BlockSpec((BM,), lambda i: (i,)),
            pl.BlockSpec((BM,), lambda i: (i,)),
            pl.BlockSpec((BM,), lambda i: (i,)),
        ],
        out_shape=[
            jax.ShapeDtypeStruct((N,), jnp.int32),
            jax.ShapeDtypeStruct((N,), jnp.float32),
            jax.ShapeDtypeStruct((N,), jnp.float32),
        ],
    )(z, cn16)



def _sca(idx, nc, zeros):
    mesh = plsc.VectorSubcoreMesh(core_axis_name="c", subcore_axis_name="s")
    cp = pltpu.CompilerParams()
    if "needs_layout_passes" in pltpu.CompilerParams.__dataclass_fields__:
        cp = dataclasses.replace(cp, needs_layout_passes=False)

    @functools.partial(
        pl.kernel,
        compiler_params=cp,
        out_type=[
            jax.ShapeDtypeStruct((N,), jnp.float32),
            jax.ShapeDtypeStruct((2, N), jnp.float32),
        ],
        mesh=mesh,
        scratch_types=[
            pltpu.VMEM((RPW,), jnp.int32),
            pltpu.VMEM((NCH, CH), jnp.int32),
            pltpu.VMEM((N,), jnp.float32),
            pltpu.VMEM((RPW,), jnp.float32),
            pltpu.VMEM((CH,), jnp.float32),
            pltpu.VMEM_SHARED((N,), jnp.float32),
        ],
    )
    def k(idx_hbm, nc_hbm, z_hbm, ncg_hbm, cnt_hbm,
          idx_v, idx2_v, nc_v, ncg_v, ones_v, hist_sh):
        cid = lax.axis_index("c")
        sid = lax.axis_index("s")
        wid = sid * 2 + cid
        base = wid * RPW
        pltpu.sync_copy(idx_hbm.at[pl.ds(base, RPW)], idx_v)
        for kk in range(NCH):
            pltpu.sync_copy(idx_hbm.at[pl.ds(base + kk * CH, CH)],
                            idx2_v.at[kk])
        pltpu.sync_copy(nc_hbm, nc_v)
        for t in range(CH // L):
            ones_v[pl.ds(t * L, L)] = jnp.full((L,), 1.0, jnp.float32)

        @pl.when(sid == 0)
        def _():
            pltpu.sync_copy(z_hbm, hist_sh)

        plsc.subcore_barrier()

        for kk in range(NCH):
            pltpu.sync_copy(ones_v, hist_sh.at[idx2_v.at[kk]], add=True)
        plsc.subcore_barrier()

        @pl.when(sid == 0)
        def _():
            pltpu.sync_copy(hist_sh, cnt_hbm.at[cid])

        for t in range(RPW // L):
            ig = idx_v[pl.ds(t * L, L)]
            ncg_v[pl.ds(t * L, L)] = plsc.load_gather(nc_v, [ig])
        pltpu.sync_copy(ncg_v, ncg_hbm.at[pl.ds(base, RPW)])

    return k(idx, nc, zeros)



def _k2_body(ca_ref, cb_ref, m_ref, nz_ref, ncg_ref, dest_ref, label_ref,
             loss_ref):
    used = jnp.minimum(ca_ref[...] + cb_ref[...], 1.0)
    usedT = used.T
    rio = lax.broadcasted_iota(jnp.int32, (128, 1), 0)
    cio = lax.broadcasted_iota(jnp.int32, (1, 64), 1)
    r128 = lax.broadcasted_iota(jnp.int32, (128, 128), 0)
    c128 = lax.broadcasted_iota(jnp.int32, (128, 128), 1)
    lower_incl = (c128 <= r128).astype(jnp.float32)
    inclT = lax.dot_general(lower_incl, usedT, (((1,), (0,)), ((), ())),
                            preferred_element_type=jnp.float32)
    coltot = inclT[127:128, :]
    a64 = lax.broadcasted_iota(jnp.int32, (64, 64), 0)
    b64 = lax.broadcasted_iota(jnp.int32, (64, 64), 1)
    upper_strict = (a64 < b64).astype(jnp.float32)
    coloff = lax.dot_general(coltot, upper_strict, (((1,), (0,)), ((), ())),
                             preferred_element_type=jnp.float32)
    csumT = inclT + coloff
    nu = jnp.max(csumT)
    flatj = (rio + 128 * cio).astype(jnp.float32)
    destT = jnp.where(usedT > 0.5, csumT - 1.0,
                      nu + flatj - csumT).astype(jnp.int32)
    labelT = (flatj < nu).astype(jnp.float32)
    dest_ref[...] = destT.T
    label_ref[...] = labelT.T
    mm = m_ref[...]
    nz = nz_ref[...]
    ncg = ncg_ref[...]
    tot = jnp.sum(nz * nz - 2.0 * mm * nz * ncg + ncg * ncg)
    loss_ref[...] = jnp.full((8, 128), tot * ((1.0 + BETA) / (N * E)),
                             jnp.float32)


def _k2(ca, cb, m8, nz8, ncg8):
    return pl.pallas_call(
        _k2_body,
        in_specs=[
            pl.BlockSpec((64, 128), lambda: (0, 0)),
            pl.BlockSpec((64, 128), lambda: (0, 0)),
            pl.BlockSpec((8, N // 8), lambda: (0, 0)),
            pl.BlockSpec((8, N // 8), lambda: (0, 0)),
            pl.BlockSpec((8, N // 8), lambda: (0, 0)),
        ],
        out_specs=[
            pl.BlockSpec((64, 128), lambda: (0, 0)),
            pl.BlockSpec((64, 128), lambda: (0, 0)),
            pl.BlockSpec((8, 128), lambda: (0, 0)),
        ],
        out_shape=[
            jax.ShapeDtypeStruct((64, 128), jnp.int32),
            jax.ShapeDtypeStruct((64, 128), jnp.float32),
            jax.ShapeDtypeStruct((8, 128), jnp.float32),
        ],
    )(ca, cb, m8, nz8, ncg8)



def _k3(codebook, dest3):
    mesh = plsc.VectorSubcoreMesh(core_axis_name="c", subcore_axis_name="s")

    @functools.partial(
        pl.kernel,
        out_type=jax.ShapeDtypeStruct((N, E), jnp.float32),
        mesh=mesh,
        scratch_types=[
            pltpu.VMEM((NCH, CH), jnp.int32),
            pltpu.VMEM((CH, E), jnp.float32),
        ],
    )
    def k(cb_hbm, d_hbm, out_hbm, idx_v, rows_v):
        cid = lax.axis_index("c")
        sid = lax.axis_index("s")
        wid = sid * 2 + cid
        pltpu.sync_copy(d_hbm.at[wid], idx_v)
        for kk in range(NCH):
            base = wid * RPW + kk * CH
            pltpu.sync_copy(cb_hbm.at[pl.ds(base, CH)], rows_v)
            pltpu.sync_copy(rows_v, out_hbm.at[idx_v.at[kk]])

    return k(codebook, dest3)



def kernel(z, codebook):
    cn = _normalize_rows(codebook)
    (cn16,) = lax.optimization_barrier((cn.astype(jnp.bfloat16),))
    nc = jnp.linalg.norm(codebook, ord=2, axis=-1)
    idx, m, nz = _k1(z, cn16)
    ncg, cnt = _sca(idx, nc, jnp.zeros((N,), jnp.float32))
    dest, label, lossbuf = _k2(cnt[0].reshape(64, 128),
                               cnt[1].reshape(64, 128),
                               m.reshape(8, N // 8),
                               nz.reshape(8, N // 8),
                               ncg.reshape(8, N // 8))
    emb = _k3(codebook, dest.reshape(NW, NCH, CH))
    return emb, label.reshape(-1), lossbuf[0, 0]

# --- scband reference (transcript-rebuilt; emitter-appended) ---
"""Pipeline reference for scband-audio-text-tagging-62594853372135 (READ-ONLY COPY).

The authoritative reference and input builder live on the scoring server;
editing this copy changes nothing except your own understanding.
"""

import jax, jax.numpy as jnp
import numpy as np

N_E = 8192
E_DIM = 256
BETA = 0.25


def _normalize(x, eps=1e-12):
    n = jnp.linalg.norm(x, ord=2, axis=-1, keepdims=True)
    return x / jnp.maximum(n, eps)


def setup_inputs(seed: int = 0):
    key = jax.random.key(seed)
    k1, k2 = jax.random.split(key)
    z = jax.random.normal(k1, (8192, E_DIM), dtype=jnp.float32)
    # nn.Embedding weight initialized uniform(-1/n_e, 1/n_e)
    codebook = jax.random.uniform(k2, (N_E, E_DIM), dtype=jnp.float32, minval=-1.0 / N_E, maxval=1.0 / N_E)
    return {"z": z, "codebook": codebook}


def reference(z, codebook):
    # cosine distance: d = -normalize(z) @ normalize(codebook).T
    d = -_normalize(z) @ _normalize(codebook).T
    min_encoding_indices = jnp.argmin(d, axis=1)
    z_q = jnp.take(codebook, min_encoding_indices, axis=0)
    loss = jnp.mean((jax.lax.stop_gradient(z) - z_q) ** 2) + BETA * jnp.mean((z - jax.lax.stop_gradient(z_q)) ** 2)
    # pos_indices = unique(min_encoding_indices); neg_indices = setdiff(arange(n_e), pos).
    # pos + neg together cover all n_e codes exactly once, pos (ascending) first then neg
    # (ascending). Equivalent static-shape formulation: stable argsort on the 'unused' mask.
    used = jnp.zeros((N_E,), dtype=bool).at[min_encoding_indices].set(True)
    order = jnp.argsort(jnp.logical_not(used), stable=True)
    emb = jnp.take(codebook, order, axis=0)
    label = used[order].astype(jnp.float32)
    return emb, label, loss

if __name__ == "__main__":
    import jax
    _d = setup_inputs()
    print(jax.jit(kernel)(*tuple(_d.values())))

</pallas_src>

<mosaic_0001>
#map = affine_map<(d0, d1) -> (0, 0)>
#map1 = affine_map<(d0, d1) -> (0, 0, 0)>
module attributes {stable_mosaic.version = 14 : i64} {
  func.func @k(%arg0: i32, %arg1: i32, %arg2: memref<8192x256xf32, #tpu.memory_space<hbm>>, %arg3: memref<32x2x128xi32, #tpu.memory_space<hbm>>, %arg4: memref<8192x256xf32, #tpu.memory_space<hbm>>, %arg5: memref<2x128xi32, #tpu.memory_space<vmem>>, %arg6: memref<128x256xf32, #tpu.memory_space<vmem>>) attributes {dimension_semantics = [#tpu.dimension_semantics<core_parallel>, #tpu.dimension_semantics<subcore_parallel>], iteration_bounds = array<i64: 2, 16>, scalar_prefetch = 0 : i64, scratch_operands = 2 : i64, tpu.core_type = #tpu.core_type<sc_vector_subcore>, window_params = [{transform_indices = #map}, {transform_indices = #map1}, {transform_indices = #map}]} {
    %mul3A = arith.constant 2 : i32
    %mul3A_0 = arith.muli %arg1, %mul3A : i32
    %add3A = arith.addi %mul3A_0, %arg0 : i32
    "tpu.region"() ({
      %run_scoped3A_10 = tpu.sem_alloc : memref<!tpu.dma_semaphore, #tpu.memory_space<semaphore_mem>>
      %dma_start3A = arith.constant 0 : i32
      %dma_start3A_11 = arith.constant 0 : i32
      %dma_start3A_12 = tpu.memref_slice %arg3[%add3A, %dma_start3A, %dma_start3A_11] : memref<32x2x128xi32, #tpu.memory_space<hbm>> -> memref<1x2x128xi32, #tpu.memory_space<hbm>>
      %dma_start3A_13 = tpu.memref_squeeze %dma_start3A_12 : memref<1x2x128xi32, #tpu.memory_space<hbm>> -> memref<2x128xi32, #tpu.memory_space<hbm>>
      %dma_start3A_14 = arith.constant 0 : i32
      %dma_start3A_15 = arith.constant 0 : i32
      %dma_start3A_16 = tpu.memref_slice %arg3[%add3A, %dma_start3A_14, %dma_start3A_15] : memref<32x2x128xi32, #tpu.memory_space<hbm>> -> memref<1x2x128xi32, #tpu.memory_space<hbm>>
      %dma_start3A_17 = tpu.memref_squeeze %dma_start3A_16 : memref<1x2x128xi32, #tpu.memory_space<hbm>> -> memref<2x128xi32, #tpu.memory_space<hbm>>
      tpu.enqueue_dma source(%dma_start3A_17 : memref<2x128xi32, #tpu.memory_space<hbm>>) target(%arg5 : memref<2x128xi32, #tpu.memory_space<vmem>>) target_semaphore(%run_scoped3A_10 : memref<!tpu.dma_semaphore, #tpu.memory_space<semaphore_mem>>)
      %dma_wait3A = arith.constant 0 : i32
      %dma_wait3A_18 = arith.constant 0 : i32
      %dma_wait3A_19 = tpu.memref_slice %arg3[%add3A, %dma_wait3A, %dma_wait3A_18] : memref<32x2x128xi32, #tpu.memory_space<hbm>> -> memref<1x2x128xi32, #tpu.memory_space<hbm>>
      %dma_wait3A_20 = tpu.memref_squeeze %dma_wait3A_19 : memref<1x2x128xi32, #tpu.memory_space<hbm>> -> memref<2x128xi32, #tpu.memory_space<hbm>>
      %dma_wait3A_21 = arith.constant 0 : i32
      %dma_wait3A_22 = arith.constant 0 : i32
      %dma_wait3A_23 = tpu.memref_slice %arg3[%add3A, %dma_wait3A_21, %dma_wait3A_22] : memref<32x2x128xi32, #tpu.memory_space<hbm>> -> memref<1x2x128xi32, #tpu.memory_space<hbm>>
      %dma_wait3A_24 = tpu.memref_squeeze %dma_wait3A_23 : memref<1x2x128xi32, #tpu.memory_space<hbm>> -> memref<2x128xi32, #tpu.memory_space<hbm>>
      tpu.wait_dma2 semaphore(%run_scoped3A_10 : memref<!tpu.dma_semaphore, #tpu.memory_space<semaphore_mem>>) src(%dma_wait3A_24 : memref<2x128xi32, #tpu.memory_space<hbm>>) dst(%arg5 : memref<2x128xi32, #tpu.memory_space<vmem>>)
      tpu.yield
    }) : () -> ()
    %mul3A_1 = arith.constant 256 : i32
    %mul3A_2 = arith.muli %add3A, %mul3A_1 : i32
    %add3A_3 = arith.constant 0 : i32
    %add3A_4 = arith.addi %mul3A_2, %add3A_3 : i32
    "tpu.region"() ({
      %run_scoped3A_10 = tpu.sem_alloc : memref<!tpu.dma_semaphore, #tpu.memory_space<semaphore_mem>>
      %dma_start3A = arith.constant 0 : i32
      %dma_start3A_11 = tpu.memref_slice %arg2[%add3A_4, %dma_start3A] : memref<8192x256xf32, #tpu.memory_space<hbm>> -> memref<128x256xf32, #tpu.memory_space<hbm>>
      %dma_start3A_12 = arith.constant 0 : i32
      %dma_start3A_13 = tpu.memref_slice %arg2[%add3A_4, %dma_start3A_12] : memref<8192x256xf32, #tpu.memory_space<hbm>> -> memref<128x256xf32, #tpu.memory_space<hbm>>
      tpu.enqueue_dma source(%dma_start3A_13 : memref<128x256xf32, #tpu.memory_space<hbm>>) target(%arg6 : memref<128x256xf32, #tpu.memory_space<vmem>>) target_semaphore(%run_scoped3A_10 : memref<!tpu.dma_semaphore, #tpu.memory_space<semaphore_mem>>)
      %dma_wait3A = arith.constant 0 : i32
      %dma_wait3A_14 = tpu.memref_slice %arg2[%add3A_4, %dma_wait3A] : memref<8192x256xf32, #tpu.memory_space<hbm>> -> memref<128x256xf32, #tpu.memory_space<hbm>>
      %dma_wait3A_15 = arith.constant 0 : i32
      %dma_wait3A_16 = tpu.memref_slice %arg2[%add3A_4, %dma_wait3A_15] : memref<8192x256xf32, #tpu.memory_space<hbm>> -> memref<128x256xf32, #tpu.memory_space<hbm>>
      tpu.wait_dma2 semaphore(%run_scoped3A_10 : memref<!tpu.dma_semaphore, #tpu.memory_space<semaphore_mem>>) src(%dma_wait3A_16 : memref<128x256xf32, #tpu.memory_space<hbm>>) dst(%arg6 : memref<128x256xf32, #tpu.memory_space<vmem>>)
      tpu.yield
    }) : () -> ()
    %run_scoped3A = arith.constant 0 : i32
    "tpu.region"() ({
      %run_scoped3A_10 = tpu.sem_alloc : memref<!tpu.dma_semaphore, #tpu.memory_space<semaphore_mem>>
      %dma_start3A = arith.constant 0 : i32
      %dma_start3A_11 = tpu.memref_slice %arg5[%run_scoped3A, %dma_start3A] : memref<2x128xi32, #tpu.memory_space<vmem>> -> memref<1x128xi32, #tpu.memory_space<vmem>>
      %dma_start3A_12 = tpu.memref_squeeze %dma_start3A_11 : memref<1x128xi32, #tpu.memory_space<vmem>> -> memref<128xi32, #tpu.memory_space<vmem>>
      %dma_start3A_13 = arith.constant 0 : i32
      %dma_start3A_14 = arith.constant 0 : i32
      %dma_start3A_15 = tpu.memref_slice %arg4[%dma_start3A_13, %dma_start3A_14] : memref<8192x256xf32, #tpu.memory_space<hbm>> -> memref<8192x256xf32, #tpu.memory_space<hbm>>
      tpu.enqueue_indirect_dma source(%arg6 : memref<128x256xf32, #tpu.memory_space<vmem>>) target(%dma_start3A_15 : memref<8192x256xf32, #tpu.memory_space<hbm>>) offsets(%dma_start3A_12 : memref<128xi32, #tpu.memory_space<vmem>>) semaphore(%run_scoped3A_10 : memref<!tpu.dma_semaphore, #tpu.memory_space<semaphore_mem>>)
      %dma_wait3A = arith.constant 0 : i32
      %dma_wait3A_16 = tpu.memref_slice %arg5[%run_scoped3A, %dma_wait3A] : memref<2x128xi32, #tpu.memory_space<vmem>> -> memref<1x128xi32, #tpu.memory_space<vmem>>
      %dma_wait3A_17 = tpu.memref_squeeze %dma_wait3A_16 : memref<1x128xi32, #tpu.memory_space<vmem>> -> memref<128xi32, #tpu.memory_space<vmem>>
      %dma_wait3A_18 = arith.constant 0 : i32
      %dma_wait3A_19 = arith.constant 0 : i32
      %dma_wait3A_20 = tpu.memref_slice %arg4[%dma_wait3A_18, %dma_wait3A_19] : memref<8192x256xf32, #tpu.memory_space<hbm>> -> memref<8192x256xf32, #tpu.memory_space<hbm>>
      tpu.wait_indirect_dma semaphore(%run_scoped3A_10 : memref<!tpu.dma_semaphore, #tpu.memory_space<semaphore_mem>>) src(%arg6 : memref<128x256xf32, #tpu.memory_space<vmem>>) dst(%dma_wait3A_20 : memref<8192x256xf32, #tpu.memory_space<hbm>>)
      tpu.yield
    }) : () -> ()
    %mul3A_5 = arith.constant 256 : i32
    %mul3A_6 = arith.muli %add3A, %mul3A_5 : i32
    %add3A_7 = arith.constant 128 : i32
    %add3A_8 = arith.addi %mul3A_6, %add3A_7 : i32
    "tpu.region"() ({
      %run_scoped3A_10 = tpu.sem_alloc : memref<!tpu.dma_semaphore, #tpu.memory_space<semaphore_mem>>
      %dma_start3A = arith.constant 0 : i32
      %dma_start3A_11 = tpu.memref_slice %arg2[%add3A_8, %dma_start3A] : memref<8192x256xf32, #tpu.memory_space<hbm>> -> memref<128x256xf32, #tpu.memory_space<hbm>>
      %dma_start3A_12 = arith.constant 0 : i32
      %dma_start3A_13 = tpu.memref_slice %arg2[%add3A_8, %dma_start3A_12] : memref<8192x256xf32, #tpu.memory_space<hbm>> -> memref<128x256xf32, #tpu.memory_space<hbm>>
      tpu.enqueue_dma source(%dma_start3A_13 : memref<128x256xf32, #tpu.memory_space<hbm>>) target(%arg6 : memref<128x256xf32, #tpu.memory_space<vmem>>) target_semaphore(%run_scoped3A_10 : memref<!tpu.dma_semaphore, #tpu.memory_space<semaphore_mem>>)
      %dma_wait3A = arith.constant 0 : i32
      %dma_wait3A_14 = tpu.memref_slice %arg2[%add3A_8, %dma_wait3A] : memref<8192x256xf32, #tpu.memory_space<hbm>> -> memref<128x256xf32, #tpu.memory_space<hbm>>
      %dma_wait3A_15 = arith.constant 0 : i32
      %dma_wait3A_16 = tpu.memref_slice %arg2[%add3A_8, %dma_wait3A_15] : memref<8192x256xf32, #tpu.memory_space<hbm>> -> memref<128x256xf32, #tpu.memory_space<hbm>>
      tpu.wait_dma2 semaphore(%run_scoped3A_10 : memref<!tpu.dma_semaphore, #tpu.memory_space<semaphore_mem>>) src(%dma_wait3A_16 : memref<128x256xf32, #tpu.memory_space<hbm>>) dst(%arg6 : memref<128x256xf32, #tpu.memory_space<vmem>>)
      tpu.yield
    }) : () -> ()
    %run_scoped3A_9 = arith.constant 1 : i32
    "tpu.region"() ({
      %run_scoped3A_10 = tpu.sem_alloc : memref<!tpu.dma_semaphore, #tpu.memory_space<semaphore_mem>>
      %dma_start3A = arith.constant 0 : i32
      %dma_start3A_11 = tpu.memref_slice %arg5[%run_scoped3A_9, %dma_start3A] : memref<2x128xi32, #tpu.memory_space<vmem>> -> memref<1x128xi32, #tpu.memory_space<vmem>>
      %dma_start3A_12 = tpu.memref_squeeze %dma_start3A_11 : memref<1x128xi32, #tpu.memory_space<vmem>> -> memref<128xi32, #tpu.memory_space<vmem>>
      %dma_start3A_13 = arith.constant 0 : i32
      %dma_start3A_14 = arith.constant 0 : i32
      %dma_start3A_15 = tpu.memref_slice %arg4[%dma_start3A_13, %dma_start3A_14] : memref<8192x256xf32, #tpu.memory_space<hbm>> -> memref<8192x256xf32, #tpu.memory_space<hbm>>
      tpu.enqueue_indirect_dma source(%arg6 : memref<128x256xf32, #tpu.memory_space<vmem>>) target(%dma_start3A_15 : memref<8192x256xf32, #tpu.memory_space<hbm>>) offsets(%dma_start3A_12 : memref<128xi32, #tpu.memory_space<vmem>>) semaphore(%run_scoped3A_10 : memref<!tpu.dma_semaphore, #tpu.memory_space<semaphore_mem>>)
      %dma_wait3A = arith.constant 0 : i32
      %dma_wait3A_16 = tpu.memref_slice %arg5[%run_scoped3A_9, %dma_wait3A] : memref<2x128xi32, #tpu.memory_space<vmem>> -> memref<1x128xi32, #tpu.memory_space<vmem>>
      %dma_wait3A_17 = tpu.memref_squeeze %dma_wait3A_16 : memref<1x128xi32, #tpu.memory_space<vmem>> -> memref<128xi32, #tpu.memory_space<vmem>>
      %dma_wait3A_18 = arith.constant 0 : i32
      %dma_wait3A_19 = arith.constant 0 : i32
      %dma_wait3A_20 = tpu.memref_slice %arg4[%dma_wait3A_18, %dma_wait3A_19] : memref<8192x256xf32, #tpu.memory_space<hbm>> -> memref<8192x256xf32, #tpu.memory_space<hbm>>
      tpu.wait_indirect_dma semaphore(%run_scoped3A_10 : memref<!tpu.dma_semaphore, #tpu.memory_space<semaphore_mem>>) src(%arg6 : memref<128x256xf32, #tpu.memory_space<vmem>>) dst(%dma_wait3A_20 : memref<8192x256xf32, #tpu.memory_space<hbm>>)
      tpu.yield
    }) : () -> ()
    return
  }
}

#map = affine_map<(d0, d1) -> (0)>
#map1 = affine_map<(d0, d1) -> (0, 0)>
module attributes {stable_mosaic.version = 14 : i64} {
  func.func @k(%arg0: i32, %arg1: i32, %arg2: memref<8192xi32, #tpu.memory_space<hbm>>, %arg3: memref<8192xf32, #tpu.memory_space<hbm>>, %arg4: memref<8192xf32, #tpu.memory_space<hbm>>, %arg5: memref<8192xf32, #tpu.memory_space<hbm>>, %arg6: memref<2x8192xf32, #tpu.memory_space<hbm>>, %arg7: memref<256xi32, #tpu.memory_space<vmem>>, %arg8: memref<2x128xi32, #tpu.memory_space<vmem>>, %arg9: memref<8192xf32, #tpu.memory_space<vmem>>, %arg10: memref<256xf32, #tpu.memory_space<vmem>>, %arg11: memref<128xf32, #tpu.memory_space<vmem>>, %arg12: memref<8192xf32, #tpu.memory_space<vmem_shared>>) attributes {dimension_semantics = [#tpu.dimension_semantics<core_parallel>, #tpu.dimension_semantics<subcore_parallel>], iteration_bounds = array<i64: 2, 16>, scalar_prefetch = 0 : i64, scratch_operands = 6 : i64, tpu.core_type = #tpu.core_type<sc_vector_subcore>, window_params = [{transform_indices = #map}, {transform_indices = #map}, {transform_indices = #map}, {transform_indices = #map}, {transform_indices = #map1}]} {
    %mul3A = arith.constant 2 : i32
    %mul3A_0 = arith.muli %arg1, %mul3A : i32
    %add3A = arith.addi %mul3A_0, %arg0 : i32
    %mul3A_1 = arith.constant 256 : i32
    %mul3A_2 = arith.muli %add3A, %mul3A_1 : i32
    "tpu.region"() ({
      %run_scoped3A_126 = tpu.sem_alloc : memref<!tpu.dma_semaphore, #tpu.memory_space<semaphore_mem>>
      %dma_start3A = tpu.memref_slice %arg2[%mul3A_2] : memref<8192xi32, #tpu.memory_space<hbm>> -> memref<256xi32, #tpu.memory_space<hbm>>
      %dma_start3A_127 = tpu.memref_slice %arg2[%mul3A_2] : memref<8192xi32, #tpu.memory_space<hbm>> -> memref<256xi32, #tpu.memory_space<hbm>>
      tpu.enqueue_dma source(%dma_start3A_127 : memref<256xi32, #tpu.memory_space<hbm>>) target(%arg7 : memref<256xi32, #tpu.memory_space<vmem>>) target_semaphore(%run_scoped3A_126 : memref<!tpu.dma_semaphore, #tpu.memory_space<semaphore_mem>>)
      %dma_wait3A = tpu.memref_slice %arg2[%mul3A_2] : memref<8192xi32, #tpu.memory_space<hbm>> -> memref<256xi32, #tpu.memory_space<hbm>>
      %dma_wait3A_128 = tpu.memref_slice %arg2[%mul3A_2] : memref<8192xi32, #tpu.memory_space<hbm>> -> memref<256xi32, #tpu.memory_space<hbm>>
      tpu.wait_dma2 semaphore(%run_scoped3A_126 : memref<!tpu.dma_semaphore, #tpu.memory_space<semaphore_mem>>) src(%dma_wait3A_128 : memref<256xi32, #tpu.memory_space<hbm>>) dst(%arg7 : memref<256xi32, #tpu.memory_space<vmem>>)
      tpu.yield
    }) : () -> ()
    %add3A_3 = arith.constant 0 : i32
    %add3A_4 = arith.addi %mul3A_2, %add3A_3 : i32
    %run_scoped3A = arith.constant 0 : i32
    "tpu.region"() ({
      %run_scoped3A_126 = tpu.sem_alloc : memref<!tpu.dma_semaphore, #tpu.memory_space<semaphore_mem>>
      %dma_start3A = arith.constant 0 : i32
      %dma_start3A_127 = tpu.memref_slice %arg8[%run_scoped3A, %dma_start3A] : memref<2x128xi32, #tpu.memory_space<vmem>> -> memref<1x128xi32, #tpu.memory_space<vmem>>
      %dma_start3A_128 = tpu.memref_squeeze %dma_start3A_127 : memref<1x128xi32, #tpu.memory_space<vmem>> -> memref<128xi32, #tpu.memory_space<vmem>>
      %dma_start3A_129 = tpu.memref_slice %arg2[%add3A_4] : memref<8192xi32, #tpu.memory_space<hbm>> -> memref<128xi32, #tpu.memory_space<hbm>>
      %dma_start3A_130 = arith.constant 0 : i32
      %dma_start3A_131 = tpu.memref_slice %arg8[%run_scoped3A, %dma_start3A_130] : memref<2x128xi32, #tpu.memory_space<vmem>> -> memref<1x128xi32, #tpu.memory_space<vmem>>
      %dma_start3A_132 = tpu.memref_squeeze %dma_start3A_131 : memref<1x128xi32, #tpu.memory_space<vmem>> -> memref<128xi32, #tpu.memory_space<vmem>>
      %dma_start3A_133 = tpu.memref_slice %arg2[%add3A_4] : memref<8192xi32, #tpu.memory_space<hbm>> -> memref<128xi32, #tpu.memory_space<hbm>>
      tpu.enqueue_dma source(%dma_start3A_133 : memref<128xi32, #tpu.memory_space<hbm>>) target(%dma_start3A_132 : memref<128xi32, #tpu.memory_space<vmem>>) target_semaphore(%run_scoped3A_126 : memref<!tpu.dma_semaphore, #tpu.memory_space<semaphore_mem>>)
      %dma_wait3A = arith.constant 0 : i32
      %dma_wait3A_134 = tpu.memref_slice %arg8[%run_scoped3A, %dma_wait3A] : memref<2x128xi32, #tpu.memory_space<vmem>> -> memref<1x128xi32, #tpu.memory_space<vmem>>
      %dma_wait3A_135 = tpu.memref_squeeze %dma_wait3A_134 : memref<1x128xi32, #tpu.memory_space<vmem>> -> memref<128xi32, #tpu.memory_space<vmem>>
      %dma_wait3A_136 = tpu.memref_slice %arg2[%add3A_4] : memref<8192xi32, #tpu.memory_space<hbm>> -> memref<128xi32, #tpu.memory_space<hbm>>
      %dma_wait3A_137 = arith.constant 0 : i32
      %dma_wait3A_138 = tpu.memref_slice %arg8[%run_scoped3A, %dma_wait3A_137] : memref<2x128xi32, #tpu.memory_space<vmem>> -> memref<1x128xi32, #tpu.memory_space<vmem>>
      %dma_wait3A_139 = tpu.memref_squeeze %dma_wait3A_138 : memref<1x128xi32, #tpu.memory_space<vmem>> -> memref<128xi32, #tpu.memory_space<vmem>>
      %dma_wait3A_140 = tpu.memref_slice %arg2[%add3A_4] : memref<8192xi32, #tpu.memory_space<hbm>> -> memref<128xi32, #tpu.memory_space<hbm>>
      tpu.wait_dma2 semaphore(%run_scoped3A_126 : memref<!tpu.dma_semaphore, #tpu.memory_space<semaphore_mem>>) src(%dma_wait3A_140 : memref<128xi32, #tpu.memory_space<hbm>>) dst(%dma_wait3A_139 : memref<128xi32, #tpu.memory_space<vmem>>)
      tpu.yield
    }) : () -> ()
    %add3A_5 = arith.constant 128 : i32
    %add3A_6 = arith.addi %mul3A_2, %add3A_5 : i32
    %run_scoped3A_7 = arith.constant 1 : i32
    "tpu.region"() ({
      %run_scoped3A_126 = tpu.sem_alloc : memref<!tpu.dma_semaphore, #tpu.memory_space<semaphore_mem>>
      %dma_start3A = arith.constant 0 : i32
      %dma_start3A_127 = tpu.memref_slice %arg8[%run_scoped3A_7, %dma_start3A] : memref<2x128xi32, #tpu.memory_space<vmem>> -> memref<1x128xi32, #tpu.memory_space<vmem>>
      %dma_start3A_128 = tpu.memref_squeeze %dma_start3A_127 : memref<1x128xi32, #tpu.memory_space<vmem>> -> memref<128xi32, #tpu.memory_space<vmem>>
      %dma_start3A_129 = tpu.memref_slice %arg2[%add3A_6] : memref<8192xi32, #tpu.memory_space<hbm>> -> memref<128xi32, #tpu.memory_space<hbm>>
      %dma_start3A_130 = arith.constant 0 : i32
      %dma_start3A_131 = tpu.memref_slice %arg8[%run_scoped3A_7, %dma_start3A_130] : memref<2x128xi32, #tpu.memory_space<vmem>> -> memref<1x128xi32, #tpu.memory_space<vmem>>
      %dma_start3A_132 = tpu.memref_squeeze %dma_start3A_131 : memref<1x128xi32, #tpu.memory_space<vmem>> -> memref<128xi32, #tpu.memory_space<vmem>>
      %dma_start3A_133 = tpu.memref_slice %arg2[%add3A_6] : memref<8192xi32, #tpu.memory_space<hbm>> -> memref<128xi32, #tpu.memory_space<hbm>>
      tpu.enqueue_dma source(%dma_start3A_133 : memref<128xi32, #tpu.memory_space<hbm>>) target(%dma_start3A_132 : memref<128xi32, #tpu.memory_space<vmem>>) target_semaphore(%run_scoped3A_126 : memref<!tpu.dma_semaphore, #tpu.memory_space<semaphore_mem>>)
      %dma_wait3A = arith.constant 0 : i32
      %dma_wait3A_134 = tpu.memref_slice %arg8[%run_scoped3A_7, %dma_wait3A] : memref<2x128xi32, #tpu.memory_space<vmem>> -> memref<1x128xi32, #tpu.memory_space<vmem>>
      %dma_wait3A_135 = tpu.memref_squeeze %dma_wait3A_134 : memref<1x128xi32, #tpu.memory_space<vmem>> -> memref<128xi32, #tpu.memory_space<vmem>>
      %dma_wait3A_136 = tpu.memref_slice %arg2[%add3A_6] : memref<8192xi32, #tpu.memory_space<hbm>> -> memref<128xi32, #tpu.memory_space<hbm>>
      %dma_wait3A_137 = arith.constant 0 : i32
      %dma_wait3A_138 = tpu.memref_slice %arg8[%run_scoped3A_7, %dma_wait3A_137] : memref<2x128xi32, #tpu.memory_space<vmem>> -> memref<1x128xi32, #tpu.memory_space<vmem>>
      %dma_wait3A_139 = tpu.memref_squeeze %dma_wait3A_138 : memref<1x128xi32, #tpu.memory_space<vmem>> -> memref<128xi32, #tpu.memory_space<vmem>>
      %dma_wait3A_140 = tpu.memref_slice %arg2[%add3A_6] : memref<8192xi32, #tpu.memory_space<hbm>> -> memref<128xi32, #tpu.memory_space<hbm>>
      tpu.wait_dma2 semaphore(%run_scoped3A_126 : memref<!tpu.dma_semaphore, #tpu.memory_space<semaphore_mem>>) src(%dma_wait3A_140 : memref<128xi32, #tpu.memory_space<hbm>>) dst(%dma_wait3A_139 : memref<128xi32, #tpu.memory_space<vmem>>)
      tpu.yield
    }) : () -> ()
    "tpu.region"() ({
      %run_scoped3A_126 = tpu.sem_alloc : memref<!tpu.dma_semaphore, #tpu.memory_space<semaphore_mem>>
      tpu.enqueue_dma source(%arg3 : memref<8192xf32, #tpu.memory_space<hbm>>) target(%arg9 : memref<8192xf32, #tpu.memory_space<vmem>>) target_semaphore(%run_scoped3A_126 : memref<!tpu.dma_semaphore, #tpu.memory_space<semaphore_mem>>)
      tpu.wait_dma2 semaphore(%run_scoped3A_126 : memref<!tpu.dma_semaphore, #tpu.memory_space<semaphore_mem>>) src(%arg3 : memref<8192xf32, #tpu.memory_space<hbm>>) dst(%arg9 : memref<8192xf32, #tpu.memory_space<vmem>>)
      tpu.yield
    }) : () -> ()
    %broadcast_in_dim3A = arith.constant 1.000000e+00 : f32
    %broadcast_in_dim3A_8 = vector.broadcast %broadcast_in_dim3A : f32 to vector<16xf32>
    %swap3A = arith.constant 0 : index
    %swap3A_9 = tpu.vector_load %arg11[%swap3A] {strides = array<i32>} : memref<128xf32, #tpu.memory_space<vmem>>, vector<16xf32>,
    tpu.vector_store %arg11[%swap3A], %broadcast_in_dim3A_8 {strides = array<i32>} : memref<128xf32, #tpu.memory_space<vmem>>, vector<16xf32>,
    %broadcast_in_dim3A_10 = arith.constant 1.000000e+00 : f32
    %broadcast_in_dim3A_11 = vector.broadcast %broadcast_in_dim3A_10 : f32 to vector<16xf32>
    %swap3A_12 = arith.constant 16 : index
    %swap3A_13 = tpu.vector_load %arg11[%swap3A_12] {strides = array<i32>} : memref<128xf32, #tpu.memory_space<vmem>>, vector<16xf32>,
    tpu.vector_store %arg11[%swap3A_12], %broadcast_in_dim3A_11 {strides = array<i32>} : memref<128xf32, #tpu.memory_space<vmem>>, vector<16xf32>,
    %broadcast_in_dim3A_14 = arith.constant 1.000000e+00 : f32
    %broadcast_in_dim3A_15 = vector.broadcast %broadcast_in_dim3A_14 : f32 to vector<16xf32>
    %swap3A_16 = arith.constant 32 : index
    %swap3A_17 = tpu.vector_load %arg11[%swap3A_16] {strides = array<i32>} : memref<128xf32, #tpu.memory_space<vmem>>, vector<16xf32>,
    tpu.vector_store %arg11[%swap3A_16], %broadcast_in_dim3A_15 {strides = array<i32>} : memref<128xf32, #tpu.memory_space<vmem>>, vector<16xf32>,
    %broadcast_in_dim3A_18 = arith.constant 1.000000e+00 : f32
    %broadcast_in_dim3A_19 = vector.broadcast %broadcast_in_dim3A_18 : f32 to vector<16xf32>
    %swap3A_20 = arith.constant 48 : index
    %swap3A_21 = tpu.vector_load %arg11[%swap3A_20] {strides = array<i32>} : memref<128xf32, #tpu.memory_space<vmem>>, vector<16xf32>,
    tpu.vector_store %arg11[%swap3A_20], %broadcast_in_dim3A_19 {strides = array<i32>} : memref<128xf32, #tpu.memory_space<vmem>>, vector<16xf32>,
    %broadcast_in_dim3A_22 = arith.constant 1.000000e+00 : f32
    %broadcast_in_dim3A_23 = vector.broadcast %broadcast_in_dim3A_22 : f32 to vector<16xf32>
    %swap3A_24 = arith.constant 64 : index
    %swap3A_25 = tpu.vector_load %arg11[%swap3A_24] {strides = array<i32>} : memref<128xf32, #tpu.memory_space<vmem>>, vector<16xf32>,
    tpu.vector_store %arg11[%swap3A_24], %broadcast_in_dim3A_23 {strides = array<i32>} : memref<128xf32, #tpu.memory_space<vmem>>, vector<16xf32>,
    %broadcast_in_dim3A_26 = arith.constant 1.000000e+00 : f32
    %broadcast_in_dim3A_27 = vector.broadcast %broadcast_in_dim3A_26 : f32 to vector<16xf32>
    %swap3A_28 = arith.constant 80 : index
    %swap3A_29 = tpu.vector_load %arg11[%swap3A_28] {strides = array<i32>} : memref<128xf32, #tpu.memory_space<vmem>>, vector<16xf32>,
    tpu.vector_store %arg11[%swap3A_28], %broadcast_in_dim3A_27 {strides = array<i32>} : memref<128xf32, #tpu.memory_space<vmem>>, vector<16xf32>,
    %broadcast_in_dim3A_30 = arith.constant 1.000000e+00 : f32
    %broadcast_in_dim3A_31 = vector.broadcast %broadcast_in_dim3A_30 : f32 to vector<16xf32>
    %swap3A_32 = arith.constant 96 : index
    %swap3A_33 = tpu.vector_load %arg11[%swap3A_32] {strides = array<i32>} : memref<128xf32, #tpu.memory_space<vmem>>, vector<16xf32>,
    tpu.vector_store %arg11[%swap3A_32], %broadcast_in_dim3A_31 {strides = array<i32>} : memref<128xf32, #tpu.memory_space<vmem>>, vector<16xf32>,
    %broadcast_in_dim3A_34 = arith.constant 1.000000e+00 : f32
    %broadcast_in_dim3A_35 = vector.broadcast %broadcast_in_dim3A_34 : f32 to vector<16xf32>
    %swap3A_36 = arith.constant 112 : index
    %swap3A_37 = tpu.vector_load %arg11[%swap3A_36] {strides = array<i32>} : memref<128xf32, #tpu.memory_space<vmem>>, vector<16xf32>,
    tpu.vector_store %arg11[%swap3A_36], %broadcast_in_dim3A_35 {strides = array<i32>} : memref<128xf32, #tpu.memory_space<vmem>>, vector<16xf32>,
    %eq3A = arith.constant 0 : i32
    %eq3A_38 = arith.cmpi eq, %arg1, %eq3A : i32
    %convert_element_type3A = arith.extui %eq3A_38 : i1 to i32
    %cond3A = arith.constant 0 : i32
    %cond3A_39 = arith.cmpi ne, %convert_element_type3A, %cond3A : i32
    scf.if %cond3A_39 {
      "tpu.region"() ({
        %run_scoped3A_126 = tpu.sem_alloc : memref<!tpu.dma_semaphore, #tpu.memory_space<semaphore_mem>>
        tpu.enqueue_dma source(%arg4 : memref<8192xf32, #tpu.memory_space<hbm>>) target(%arg12 : memref<8192xf32, #tpu.memory_space<vmem_shared>>) target_semaphore(%run_scoped3A_126 : memref<!tpu.dma_semaphore, #tpu.memory_space<semaphore_mem>>)
        tpu.wait_dma2 semaphore(%run_scoped3A_126 : memref<!tpu.dma_semaphore, #tpu.memory_space<semaphore_mem>>) src(%arg4 : memref<8192xf32, #tpu.memory_space<hbm>>) dst(%arg12 : memref<8192xf32, #tpu.memory_space<vmem_shared>>)
        tpu.yield
      }) : () -> ()
    } else {
    }
    %barrier3A = arith.constant 0 : index
    tpu.barrier barrier_id(%barrier3A)
    %run_scoped3A_40 = arith.constant 0 : i32
    "tpu.region"() ({
      %run_scoped3A_126 = tpu.sem_alloc : memref<!tpu.dma_semaphore, #tpu.memory_space<semaphore_mem>>
      %dma_start3A = arith.constant 0 : i32
      %dma_start3A_127 = tpu.memref_slice %arg8[%run_scoped3A_40, %dma_start3A] : memref<2x128xi32, #tpu.memory_space<vmem>> -> memref<1x128xi32, #tpu.memory_space<vmem>>
      %dma_start3A_128 = tpu.memref_squeeze %dma_start3A_127 : memref<1x128xi32, #tpu.memory_space<vmem>> -> memref<128xi32, #tpu.memory_space<vmem>>
      %dma_start3A_129 = arith.constant 0 : i32
      %dma_start3A_130 = tpu.memref_slice %arg12[%dma_start3A_129] : memref<8192xf32, #tpu.memory_space<vmem_shared>> -> memref<8192xf32, #tpu.memory_space<vmem_shared>>
      tpu.enqueue_indirect_dma source(%arg11 : memref<128xf32, #tpu.memory_space<vmem>>) target(%dma_start3A_130 : memref<8192xf32, #tpu.memory_space<vmem_shared>>) offsets(%dma_start3A_128 : memref<128xi32, #tpu.memory_space<vmem>>) semaphore(%run_scoped3A_126 : memref<!tpu.dma_semaphore, #tpu.memory_space<semaphore_mem>>) {add = true}
      %dma_wait3A = arith.constant 0 : i32
      %dma_wait3A_131 = tpu.memref_slice %arg8[%run_scoped3A_40, %dma_wait3A] : memref<2x128xi32, #tpu.memory_space<vmem>> -> memref<1x128xi32, #tpu.memory_space<vmem>>
      %dma_wait3A_132 = tpu.memref_squeeze %dma_wait3A_131 : memref<1x128xi32, #tpu.memory_space<vmem>> -> memref<128xi32, #tpu.memory_space<vmem>>
      %dma_wait3A_133 = arith.constant 0 : i32
      %dma_wait3A_134 = tpu.memref_slice %arg12[%dma_wait3A_133] : memref<8192xf32, #tpu.memory_space<vmem_shared>> -> memref<8192xf32, #tpu.memory_space<vmem_shared>>
      tpu.wait_indirect_dma semaphore(%run_scoped3A_126 : memref<!tpu.dma_semaphore, #tpu.memory_space<semaphore_mem>>) src(%arg11 : memref<128xf32, #tpu.memory_space<vmem>>) dst(%dma_wait3A_134 : memref<8192xf32, #tpu.memory_space<vmem_shared>>)
      tpu.yield
    }) : () -> ()
    %run_scoped3A_41 = arith.constant 1 : i32
    "tpu.region"() ({
      %run_scoped3A_126 = tpu.sem_alloc : memref<!tpu.dma_semaphore, #tpu.memory_space<semaphore_mem>>
      %dma_start3A = arith.constant 0 : i32
      %dma_start3A_127 = tpu.memref_slice %arg8[%run_scoped3A_41, %dma_start3A] : memref<2x128xi32, #tpu.memory_space<vmem>> -> memref<1x128xi32, #tpu.memory_space<vmem>>
      %dma_start3A_128 = tpu.memref_squeeze %dma_start3A_127 : memref<1x128xi32, #tpu.memory_space<vmem>> -> memref<128xi32, #tpu.memory_space<vmem>>
      %dma_start3A_129 = arith.constant 0 : i32
      %dma_start3A_130 = tpu.memref_slice %arg12[%dma_start3A_129] : memref<8192xf32, #tpu.memory_space<vmem_shared>> -> memref<8192xf32, #tpu.memory_space<vmem_shared>>
      tpu.enqueue_indirect_dma source(%arg11 : memref<128xf32, #tpu.memory_space<vmem>>) target(%dma_start3A_130 : memref<8192xf32, #tpu.memory_space<vmem_shared>>) offsets(%dma_start3A_128 : memref<128xi32, #tpu.memory_space<vmem>>) semaphore(%run_scoped3A_126 : memref<!tpu.dma_semaphore, #tpu.memory_space<semaphore_mem>>) {add = true}
      %dma_wait3A = arith.constant 0 : i32
      %dma_wait3A_131 = tpu.memref_slice %arg8[%run_scoped3A_41, %dma_wait3A] : memref<2x128xi32, #tpu.memory_space<vmem>> -> memref<1x128xi32, #tpu.memory_space<vmem>>
      %dma_wait3A_132 = tpu.memref_squeeze %dma_wait3A_131 : memref<1x128xi32, #tpu.memory_space<vmem>> -> memref<128xi32, #tpu.memory_space<vmem>>
      %dma_wait3A_133 = arith.constant 0 : i32
      %dma_wait3A_134 = tpu.memref_slice %arg12[%dma_wait3A_133] : memref<8192xf32, #tpu.memory_space<vmem_shared>> -> memref<8192xf32, #tpu.memory_space<vmem_shared>>
      tpu.wait_indirect_dma semaphore(%run_scoped3A_126 : memref<!tpu.dma_semaphore, #tpu.memory_space<semaphore_mem>>) src(%arg11 : memref<128xf32, #tpu.memory_space<vmem>>) dst(%dma_wait3A_134 : memref<8192xf32, #tpu.memory_space<vmem_shared>>)
      tpu.yield
    }) : () -> ()
    %barrier3A_42 = arith.constant 0 : index
    tpu.barrier barrier_id(%barrier3A_42)
    %eq3A_43 = arith.constant 0 : i32
    %eq3A_44 = arith.cmpi eq, %arg1, %eq3A_43 : i32
    %convert_element_type3A_45 = arith.extui %eq3A_44 : i1 to i32
    %cond3A_46 = arith.constant 0 : i32
    %cond3A_47 = arith.cmpi ne, %convert_element_type3A_45, %cond3A_46 : i32
    scf.if %cond3A_47 {
      "tpu.region"() ({
        %run_scoped3A_126 = tpu.sem_alloc : memref<!tpu.dma_semaphore, #tpu.memory_space<semaphore_mem>>
        %dma_start3A = arith.constant 0 : i32
        %dma_start3A_127 = tpu.memref_slice %arg6[%arg0, %dma_start3A] : memref<2x8192xf32, #tpu.memory_space<hbm>> -> memref<1x8192xf32, #tpu.memory_space<hbm>>
        %dma_start3A_128 = tpu.memref_squeeze %dma_start3A_127 : memref<1x8192xf32, #tpu.memory_space<hbm>> -> memref<8192xf32, #tpu.memory_space<hbm>>
        tpu.enqueue_dma source(%arg12 : memref<8192xf32, #tpu.memory_space<vmem_shared>>) target(%dma_start3A_128 : memref<8192xf32, #tpu.memory_space<hbm>>) target_semaphore(%run_scoped3A_126 : memref<!tpu.dma_semaphore, #tpu.memory_space<semaphore_mem>>)
        %dma_wait3A = arith.constant 0 : i32
        %dma_wait3A_129 = tpu.memref_slice %arg6[%arg0, %dma_wait3A] : memref<2x8192xf32, #tpu.memory_space<hbm>> -> memref<1x8192xf32, #tpu.memory_space<hbm>>
        %dma_wait3A_130 = tpu.memref_squeeze %dma_wait3A_129 : memref<1x8192xf32, #tpu.memory_space<hbm>> -> memref<8192xf32, #tpu.memory_space<hbm>>
        tpu.wait_dma2 semaphore(%run_scoped3A_126 : memref<!tpu.dma_semaphore, #tpu.memory_space<semaphore_mem>>) src(%arg12 : memref<8192xf32, #tpu.memory_space<vmem_shared>>) dst(%dma_wait3A_130 : memref<8192xf32, #tpu.memory_space<hbm>>)
        tpu.yield
      }) : () -> ()
    } else {
    }
    %get3A = arith.constant 0 : index
    %get3A_48 = tpu.vector_load %arg7[%get3A] {strides = array<i32>} : memref<256xi32, #tpu.memory_space<vmem>>, vector<16xi32>,
    %gather3A = tpu.vector_load_idx %arg9[%get3A_48] : memref<8192xf32, #tpu.memory_space<vmem>>[vector<16xi32>], vector<16xf32>,
    %swap3A_49 = arith.constant 0 : index
    %swap3A_50 = tpu.vector_load %arg10[%swap3A_49] {strides = array<i32>} : memref<256xf32, #tpu.memory_space<vmem>>, vector<16xf32>,
    tpu.vector_store %arg10[%swap3A_49], %gather3A {strides = array<i32>} : memref<256xf32, #tpu.memory_space<vmem>>, vector<16xf32>,
    %get3A_51 = arith.constant 16 : index
    %get3A_52 = tpu.vector_load %arg7[%get3A_51] {strides = array<i32>} : memref<256xi32, #tpu.memory_space<vmem>>, vector<16xi32>,
    %gather3A_53 = tpu.vector_load_idx %arg9[%get3A_52] : memref<8192xf32, #tpu.memory_space<vmem>>[vector<16xi32>], vector<16xf32>,
    %swap3A_54 = arith.constant 16 : index
    %swap3A_55 = tpu.vector_load %arg10[%swap3A_54] {strides = array<i32>} : memref<256xf32, #tpu.memory_space<vmem>>, vector<16xf32>,
    tpu.vector_store %arg10[%swap3A_54], %gather3A_53 {strides = array<i32>} : memref<256xf32, #tpu.memory_space<vmem>>, vector<16xf32>,
    %get3A_56 = arith.constant 32 : index
    %get3A_57 = tpu.vector_load %arg7[%get3A_56] {strides = array<i32>} : memref<256xi32, #tpu.memory_space<vmem>>, vector<16xi32>,
    %gather3A_58 = tpu.vector_load_idx %arg9[%get3A_57] : memref<8192xf32, #tpu.memory_space<vmem>>[vector<16xi32>], vector<16xf32>,
    %swap3A_59 = arith.constant 32 : index
    %swap3A_60 = tpu.vector_load %arg10[%swap3A_59] {strides = array<i32>} : memref<256xf32, #tpu.memory_space<vmem>>, vector<16xf32>,
    tpu.vector_store %arg10[%swap3A_59], %gather3A_58 {strides = array<i32>} : memref<256xf32, #tpu.memory_space<vmem>>, vector<16xf32>,
    %get3A_61 = arith.constant 48 : index
    %get3A_62 = tpu.vector_load %arg7[%get3A_61] {strides = array<i32>} : memref<256xi32, #tpu.memory_space<vmem>>, vector<16xi32>,
    %gather3A_63 = tpu.vector_load_idx %arg9[%get3A_62] : memref<8192xf32, #tpu.memory_space<vmem>>[vector<16xi32>], vector<16xf32>,
    %swap3A_64 = arith.constant 48 : index
    %swap3A_65 = tpu.vector_load %arg10[%swap3A_64] {strides = array<i32>} : memref<256xf32, #tpu.memory_space<vmem>>, vector<16xf32>,
    tpu.vector_store %arg10[%swap3A_64], %gather3A_63 {strides = array<i32>} : memref<256xf32, #tpu.memory_space<vmem>>, vector<16xf32>,
    %get3A_66 = arith.constant 64 : index
    %get3A_67 = tpu.vector_load %arg7[%get3A_66] {strides = array<i32>} : memref<256xi32, #tpu.memory_space<vmem>>, vector<16xi32>,
    %gather3A_68 = tpu.vector_load_idx %arg9[%get3A_67] : memref<8192xf32, #tpu.memory_space<vmem>>[vector<16xi32>], vector<16xf32>,
    %swap3A_69 = arith.constant 64 : index
    %swap3A_70 = tpu.vector_load %arg10[%swap3A_69] {strides = array<i32>} : memref<256xf32, #tpu.memory_space<vmem>>, vector<16xf32>,
    tpu.vector_store %arg10[%swap3A_69], %gather3A_68 {strides = array<i32>} : memref<256xf32, #tpu.memory_space<vmem>>, vector<16xf32>,
    %get3A_71 = arith.constant 80 : index
    %get3A_72 = tpu.vector_load %arg7[%get3A_71] {strides = array<i32>} : memref<256xi32, #tpu.memory_space<vmem>>, vector<16xi32>,
    %gather3A_73 = tpu.vector_load_idx %arg9[%get3A_72] : memref<8192xf32, #tpu.memory_space<vmem>>[vector<16xi32>], vector<16xf32>,
    %swap3A_74 = arith.constant 80 : index
    %swap3A_75 = tpu.vector_load %arg10[%swap3A_74] {strides = array<i32>} : memref<256xf32, #tpu.memory_space<vmem>>, vector<16xf32>,
    tpu.vector_store %arg10[%swap3A_74], %gather3A_73 {strides = array<i32>} : memref<256xf32, #tpu.memory_space<vmem>>, vector<16xf32>,
    %get3A_76 = arith.constant 96 : index
    %get3A_77 = tpu.vector_load %arg7[%get3A_76] {strides = array<i32>} : memref<256xi32, #tpu.memory_space<vmem>>, vector<16xi32>,
    %gather3A_78 = tpu.vector_load_idx %arg9[%get3A_77] : memref<8192xf32, #tpu.memory_space<vmem>>[vector<16xi32>], vector<16xf32>,
    %swap3A_79 = arith.constant 96 : index
    %swap3A_80 = tpu.vector_load %arg10[%swap3A_79] {strides = array<i32>} : memref<256xf32, #tpu.memory_space<vmem>>, vector<16xf32>,
    tpu.vector_store %arg10[%swap3A_79], %gather3A_78 {strides = array<i32>} : memref<256xf32, #tpu.memory_space<vmem>>, vector<16xf32>,
    %get3A_81 = arith.constant 112 : index
    %get3A_82 = tpu.vector_load %arg7[%get3A_81] {strides = array<i32>} : memref<256xi32, #tpu.memory_space<vmem>>, vector<16xi32>,
    %gather3A_83 = tpu.vector_load_idx %arg9[%get3A_82] : memref<8192xf32, #tpu.memory_space<vmem>>[vector<16xi32>], vector<16xf32>,
    %swap3A_84 = arith.constant 112 : index
    %swap3A_85 = tpu.vector_load %arg10[%swap3A_84] {strides = array<i32>} : memref<256xf32, #tpu.memory_space<vmem>>, vector<16xf32>,
    tpu.vector_store %arg10[%swap3A_84], %gather3A_83 {strides = array<i32>} : memref<256xf32, #tpu.memory_space<vmem>>, vector<16xf32>,
    %get3A_86 = arith.constant 128 : index
    %get3A_87 = tpu.vector_load %arg7[%get3A_86] {strides = array<i32>} : memref<256xi32, #tpu.memory_space<vmem>>, vector<16xi32>,
    %gather3A_88 = tpu.vector_load_idx %arg9[%get3A_87] : memref<8192xf32, #tpu.memory_space<vmem>>[vector<16xi32>], vector<16xf32>,
    %swap3A_89 = arith.constant 128 : index
    %swap3A_90 = tpu.vector_load %arg10[%swap3A_89] {strides = array<i32>} : memref<256xf32, #tpu.memory_space<vmem>>, vector<16xf32>,
    tpu.vector_store %arg10[%swap3A_89], %gather3A_88 {strides = array<i32>} : memref<256xf32, #tpu.memory_space<vmem>>, vector<16xf32>,
    %get3A_91 = arith.constant 144 : index
    %get3A_92 = tpu.vector_load %arg7[%get3A_91] {strides = array<i32>} : memref<256xi32, #tpu.memory_space<vmem>>, vector<16xi32>,
    %gather3A_93 = tpu.vector_load_idx %arg9[%get3A_92] : memref<8192xf32, #tpu.memory_space<vmem>>[vector<16xi32>], vector<16xf32>,
    %swap3A_94 = arith.constant 144 : index
    %swap3A_95 = tpu.vector_load %arg10[%swap3A_94] {strides = array<i32>} : memref<256xf32, #tpu.memory_space<vmem>>, vector<16xf32>,
    tpu.vector_store %arg10[%swap3A_94], %gather3A_93 {strides = array<i32>} : memref<256xf32, #tpu.memory_space<vmem>>, vector<16xf32>,
    %get3A_96 = arith.constant 160 : index
    %get3A_97 = tpu.vector_load %arg7[%get3A_96] {strides = array<i32>} : memref<256xi32, #tpu.memory_space<vmem>>, vector<16xi32>,
    %gather3A_98 = tpu.vector_load_idx %arg9[%get3A_97] : memref<8192xf32, #tpu.memory_space<vmem>>[vector<16xi32>], vector<16xf32>,
    %swap3A_99 = arith.constant 160 : index
    %swap3A_100 = tpu.vector_load %arg10[%swap3A_99] {strides = array<i32>} : memref<256xf32, #tpu.memory_space<vmem>>, vector<16xf32>,
    tpu.vector_store %arg10[%swap3A_99], %gather3A_98 {strides = array<i32>} : memref<256xf32, #tpu.memory_space<vmem>>, vector<16xf32>,
    %get3A_101 = arith.constant 176 : index
    %get3A_102 = tpu.vector_load %arg7[%get3A_101] {strides = array<i32>} : memref<256xi32, #tpu.memory_space<vmem>>, vector<16xi32>,
    %gather3A_103 = tpu.vector_load_idx %arg9[%get3A_102] : memref<8192xf32, #tpu.memory_space<vmem>>[vector<16xi32>], vector<16xf32>,
    %swap3A_104 = arith.constant 176 : index
    %swap3A_105 = tpu.vector_load %arg10[%swap3A_104] {strides = array<i32>} : memref<256xf32, #tpu.memory_space<vmem>>, vector<16xf32>,
    tpu.vector_store %arg10[%swap3A_104], %gather3A_103 {strides = array<i32>} : memref<256xf32, #tpu.memory_space<vmem>>, vector<16xf32>,
    %get3A_106 = arith.constant 192 : index
    %get3A_107 = tpu.vector_load %arg7[%get3A_106] {strides = array<i32>} : memref<256xi32, #tpu.memory_space<vmem>>, vector<16xi32>,
    %gather3A_108 = tpu.vector_load_idx %arg9[%get3A_107] : memref<8192xf32, #tpu.memory_space<vmem>>[vector<16xi32>], vector<16xf32>,
    %swap3A_109 = arith.constant 192 : index
    %swap3A_110 = tpu.vector_load %arg10[%swap3A_109] {strides = array<i32>} : memref<256xf32, #tpu.memory_space<vmem>>, vector<16xf32>,
    tpu.vector_store %arg10[%swap3A_109], %gather3A_108 {strides = array<i32>} : memref<256xf32, #tpu.memory_space<vmem>>, vector<16xf32>,
    %get3A_111 = arith.constant 208 : index
    %get3A_112 = tpu.vector_load %arg7[%get3A_111] {strides = array<i32>} : memref<256xi32, #tpu.memory_space<vmem>>, vector<16xi32>,
    %gather3A_113 = tpu.vector_load_idx %arg9[%get3A_112] : memref<8192xf32, #tpu.memory_space<vmem>>[vector<16xi32>], vector<16xf32>,
    %swap3A_114 = arith.constant 208 : index
    %swap3A_115 = tpu.vector_load %arg10[%swap3A_114] {strides = array<i32>} : memref<256xf32, #tpu.memory_space<vmem>>, vector<16xf32>,
    tpu.vector_store %arg10[%swap3A_114], %gather3A_113 {strides = array<i32>} : memref<256xf32, #tpu.memory_space<vmem>>, vector<16xf32>,
    %get3A_116 = arith.constant 224 : index
    %get3A_117 = tpu.vector_load %arg7[%get3A_116] {strides = array<i32>} : memref<256xi32, #tpu.memory_space<vmem>>, vector<16xi32>,
    %gather3A_118 = tpu.vector_load_idx %arg9[%get3A_117] : memref<8192xf32, #tpu.memory_space<vmem>>[vector<16xi32>], vector<16xf32>,
    %swap3A_119 = arith.constant 224 : index
    %swap3A_120 = tpu.vector_load %arg10[%swap3A_119] {strides = array<i32>} : memref<256xf32, #tpu.memory_space<vmem>>, vector<16xf32>,
    tpu.vector_store %arg10[%swap3A_119], %gather3A_118 {strides = array<i32>} : memref<256xf32, #tpu.memory_space<vmem>>, vector<16xf32>,
    %get3A_121 = arith.constant 240 : index
    %get3A_122 = tpu.vector_load %arg7[%get3A_121] {strides = array<i32>} : memref<256xi32, #tpu.memory_space<vmem>>, vector<16xi32>,
    %gather3A_123 = tpu.vector_load_idx %arg9[%get3A_122] : memref<8192xf32, #tpu.memory_space<vmem>>[vector<16xi32>], vector<16xf32>,
    %swap3A_124 = arith.constant 240 : index
    %swap3A_125 = tpu.vector_load %arg10[%swap3A_124] {strides = array<i32>} : memref<256xf32, #tpu.memory_space<vmem>>, vector<16xf32>,
    tpu.vector_store %arg10[%swap3A_124], %gather3A_123 {strides = array<i32>} : memref<256xf32, #tpu.memory_space<vmem>>, vector<16xf32>,
    "tpu.region"() ({
      %run_scoped3A_126 = tpu.sem_alloc : memref<!tpu.dma_semaphore, #tpu.memory_space<semaphore_mem>>
      %dma_start3A = tpu.memref_slice %arg5[%mul3A_2] : memref<8192xf32, #tpu.memory_space<hbm>> -> memref<256xf32, #tpu.memory_space<hbm>>
      %dma_start3A_127 = tpu.memref_slice %arg5[%mul3A_2] : memref<8192xf32, #tpu.memory_space<hbm>> -> memref<256xf32, #tpu.memory_space<hbm>>
      tpu.enqueue_dma source(%arg10 : memref<256xf32, #tpu.memory_space<vmem>>) target(%dma_start3A_127 : memref<256xf32, #tpu.memory_space<hbm>>) target_semaphore(%run_scoped3A_126 : memref<!tpu.dma_semaphore, #tpu.memory_space<semaphore_mem>>)
      %dma_wait3A = tpu.memref_slice %arg5[%mul3A_2] : memref<8192xf32, #tpu.memory_space<hbm>> -> memref<256xf32, #tpu.memory_space<hbm>>
      %dma_wait3A_128 = tpu.memref_slice %arg5[%mul3A_2] : memref<8192xf32, #tpu.memory_space<hbm>> -> memref<256xf32, #tpu.memory_space<hbm>>
      tpu.wait_dma2 semaphore(%run_scoped3A_126 : memref<!tpu.dma_semaphore, #tpu.memory_space<semaphore_mem>>) src(%arg10 : memref<256xf32, #tpu.memory_space<vmem>>) dst(%dma_wait3A_128 : memref<256xf32, #tpu.memory_space<hbm>>)
      tpu.yield
    }) : () -> ()
    return
  }
}

module attributes {stable_mosaic.version = 14 : i64} {
  func.func @_k1_body(%arg0: i32, %arg1: memref<256x256xf32, #tpu.memory_space<vmem>>, %arg2: memref<8192x256xbf16, #tpu.memory_space<vmem>>, %arg3: memref<256xi32, #tpu.memory_space<vmem>>, %arg4: memref<256xf32, #tpu.memory_space<vmem>>, %arg5: memref<256xf32, #tpu.memory_space<vmem>>) attributes {dimension_semantics = [#tpu.dimension_semantics<arbitrary>], iteration_bounds = array<i64: 32>, scalar_prefetch = 0 : i64, scratch_operands = 0 : i64, tpu.core_type = #tpu.core_type<tc>, window_params = [{transform_indices = @transform_0, window_bounds = array<i64: 256, 256>}, {pipeline_mode = #tpu.pipeline_mode<synchronous>, transform_indices = @transform_1, window_bounds = array<i64: 8192, 256>}, {transform_indices = @transform_2, window_bounds = array<i64: 256>}, {transform_indices = @transform_3, window_bounds = array<i64: 256>}, {transform_indices = @transform_4, window_bounds = array<i64: 256>}]} {
    %get3A = arith.constant 0 : index
    %get3A_0 = arith.constant 0 : index
    %get3A_1 = vector.load %arg1[%get3A, %get3A_0] : memref<256x256xf32, #tpu.memory_space<vmem>>, vector<256x256xf32>
    %mul3A = arith.mulf %get3A_1, %get3A_1 : vector<256x256xf32>
    %reduce_sum3A = arith.constant dense<0.000000e+00> : vector<256xf32>
    %reduce_sum3A_2 = vector.multi_reduction <add>, %mul3A, %reduce_sum3A [1] : vector<256x256xf32> to vector<256xf32>
    %broadcast_in_dim3A = vector.shape_cast %reduce_sum3A_2 : vector<256xf32> to vector<256x1xf32>
    %sqrt3A = math.sqrt %broadcast_in_dim3A : vector<256x1xf32>
    %max3A = arith.constant 9.99999996E-13 : f32
    %max3A_3 = vector.broadcast %max3A : f32 to vector<256x1xf32>
    %max3A_4 = arith.maximumf %sqrt3A, %max3A_3 : vector<256x1xf32>
    %div3A = vector.broadcast %max3A_4 : vector<256x1xf32> to vector<256x256xf32>
    %div3A_5 = arith.divf %get3A_1, %div3A : vector<256x256xf32>
    %convert_element_type3A = arith.truncf %div3A_5 : vector<256x256xf32> to vector<256x256xbf16>
    %squeeze3A = vector.shape_cast %sqrt3A : vector<256x1xf32> to vector<256xf32>
    %swap3A = arith.constant 0 : index
    %swap3A_6 = vector.load %arg5[%swap3A] : memref<256xf32, #tpu.memory_space<vmem>>, vector<256xf32>
    tpu.vector_store %arg5[%swap3A], %squeeze3A {strides = array<i32>} : memref<256xf32, #tpu.memory_space<vmem>>, vector<256xf32>,
    %get3A_7 = arith.constant 0 : index
    %get3A_8 = arith.constant 0 : index
    %get3A_9 = vector.load %arg2[%get3A_7, %get3A_8] : memref<8192x256xbf16, #tpu.memory_space<vmem>>, vector<8192x256xbf16>
    %dot_general3A = arith.constant dense<0.000000e+00> : vector<256x8192xf32>
    %dot_general3A_10 = tpu.matmul %convert_element_type3A, %get3A_9, %dot_general3A {dimension_numbers = #tpu.dot_dimension_numbers<[1], [1], [0], [0], [0, 0, 1, 0], [], []>, transpose_lhs_hint = false} : vector<256x256xbf16>, vector<8192x256xbf16>, vector<256x8192xf32> -> vector<256x8192xf32>
    %slice3A = vector.extract_strided_slice %dot_general3A_10 {offsets = [0, 0], sizes = [256, 4096], strides = [1, 1]} : vector<256x8192xf32> to vector<256x4096xf32>
    %slice3A_11 = vector.extract_strided_slice %dot_general3A_10 {offsets = [0, 4096], sizes = [256, 4096], strides = [1, 1]} : vector<256x8192xf32> to vector<256x4096xf32>
    %reduce_max3A = arith.constant dense<0xFF800000> : vector<256xf32>
    %reduce_max3A_12 = vector.multi_reduction <maximumf>, %slice3A, %reduce_max3A [1] : vector<256x4096xf32> to vector<256xf32>
    %broadcast_in_dim3A_13 = vector.shape_cast %reduce_max3A_12 : vector<256xf32> to vector<256x1xf32>
    %reduce_max3A_14 = arith.constant dense<0xFF800000> : vector<256xf32>
    %reduce_max3A_15 = vector.multi_reduction <maximumf>, %slice3A_11, %reduce_max3A_14 [1] : vector<256x4096xf32> to vector<256xf32>
    %broadcast_in_dim3A_16 = vector.shape_cast %reduce_max3A_15 : vector<256xf32> to vector<256x1xf32>
    %iota3A = tpu.iota {dimensions = array<i32: 1>} : vector<256x4096xi32>
    %eq3A = vector.broadcast %broadcast_in_dim3A_13 : vector<256x1xf32> to vector<256x4096xf32>
    %eq3A_17 = arith.cmpf oeq, %slice3A, %eq3A : vector<256x4096xf32>
    %jit3A = arith.constant 4096 : i32
    %broadcast_in_dim3A_18 = vector.broadcast %jit3A : i32 to vector<256x4096xi32>
    %select_n3A = arith.select %eq3A_17, %iota3A, %broadcast_in_dim3A_18 : vector<256x4096xi1>, vector<256x4096xi32>
    %reduce_min3A = arith.constant dense<2147483647> : vector<256xi32>
    %reduce_min3A_19 = vector.multi_reduction <minsi>, %select_n3A, %reduce_min3A [1] : vector<256x4096xi32> to vector<256xi32>
    %broadcast_in_dim3A_20 = vector.shape_cast %reduce_min3A_19 : vector<256xi32> to vector<256x1xi32>
    %eq3A_21 = vector.broadcast %broadcast_in_dim3A_16 : vector<256x1xf32> to vector<256x4096xf32>
    %eq3A_22 = arith.cmpf oeq, %slice3A_11, %eq3A_21 : vector<256x4096xf32>
    %jit3A_23 = arith.constant 4096 : i32
    %broadcast_in_dim3A_24 = vector.broadcast %jit3A_23 : i32 to vector<256x4096xi32>
    %select_n3A_25 = arith.select %eq3A_22, %iota3A, %broadcast_in_dim3A_24 : vector<256x4096xi1>, vector<256x4096xi32>
    %reduce_min3A_26 = arith.constant dense<2147483647> : vector<256xi32>
    %reduce_min3A_27 = vector.multi_reduction <minsi>, %select_n3A_25, %reduce_min3A_26 [1] : vector<256x4096xi32> to vector<256xi32>
    %broadcast_in_dim3A_28 = vector.shape_cast %reduce_min3A_27 : vector<256xi32> to vector<256x1xi32>
    %convert_element_type3A_29 = arith.truncf %broadcast_in_dim3A_13 : vector<256x1xf32> to vector<256x1xbf16>
    %convert_element_type3A_30 = arith.extf %convert_element_type3A_29 : vector<256x1xbf16> to vector<256x1xf32>
    %gt3A = arith.cmpf ogt, %broadcast_in_dim3A_16, %convert_element_type3A_30 : vector<256x1xf32>
    %add3A = arith.constant 4096 : i32
    %add3A_31 = vector.broadcast %add3A : i32 to vector<256x1xi32>
    %add3A_32 = arith.addi %broadcast_in_dim3A_28, %add3A_31 : vector<256x1xi32>
    %select_n3A_33 = arith.select %gt3A, %add3A_32, %broadcast_in_dim3A_20 : vector<256x1xi1>, vector<256x1xi32>
    %select_n3A_34 = arith.select %gt3A, %broadcast_in_dim3A_16, %broadcast_in_dim3A_13 : vector<256x1xi1>, vector<256x1xf32>
    %squeeze3A_35 = vector.shape_cast %select_n3A_33 : vector<256x1xi32> to vector<256xi32>
    %swap3A_36 = arith.constant 0 : index
    %swap3A_37 = vector.load %arg3[%swap3A_36] : memref<256xi32, #tpu.memory_space<vmem>>, vector<256xi32>
    tpu.vector_store %arg3[%swap3A_36], %squeeze3A_35 {strides = array<i32>} : memref<256xi32, #tpu.memory_space<vmem>>, vector<256xi32>,
    %squeeze3A_38 = vector.shape_cast %select_n3A_34 : vector<256x1xf32> to vector<256xf32>
    %swap3A_39 = arith.constant 0 : index
    %swap3A_40 = vector.load %arg4[%swap3A_39] : memref<256xf32, #tpu.memory_space<vmem>>, vector<256xf32>
    tpu.vector_store %arg4[%swap3A_39], %squeeze3A_38 {strides = array<i32>} : memref<256xf32, #tpu.memory_space<vmem>>, vector<256xf32>,
    return
  }
  func.func @transform_0(%arg0: i32) -> (i32, i32) {
    %c0_i32 = arith.constant 0 : i32
    %c0_i32_0 = arith.constant 0 : i32
    return %arg0, %c0_i32 : i32, i32
  }
  func.func @transform_1(%arg0: i32) -> (i32, i32) {
    %c0_i32 = arith.constant 0 : i32
    %c0_i32_0 = arith.constant 0 : i32
    %c0_i32_1 = arith.constant 0 : i32
    return %c0_i32, %c0_i32_0 : i32, i32
  }
  func.func @transform_2(%arg0: i32) -> i32 {
    %c0_i32 = arith.constant 0 : i32
    return %arg0 : i32
  }
  func.func @transform_3(%arg0: i32) -> i32 {
    %c0_i32 = arith.constant 0 : i32
    return %arg0 : i32
  }
  func.func @transform_4(%arg0: i32) -> i32 {
    %c0_i32 = arith.constant 0 : i32
    return %arg0 : i32
  }
}

module attributes {stable_mosaic.version = 14 : i64} {
  func.func @_k2_body(%arg0: memref<64x128xf32, #tpu.memory_space<vmem>>, %arg1: memref<64x128xf32, #tpu.memory_space<vmem>>, %arg2: memref<8x1024xf32, #tpu.memory_space<vmem>>, %arg3: memref<8x1024xf32, #tpu.memory_space<vmem>>, %arg4: memref<8x1024xf32, #tpu.memory_space<vmem>>, %arg5: memref<64x128xi32, #tpu.memory_space<vmem>>, %arg6: memref<64x128xf32, #tpu.memory_space<vmem>>, %arg7: memref<8x128xf32, #tpu.memory_space<vmem>>) attributes {dimension_semantics = [], scalar_prefetch = 0 : i64, scratch_operands = 0 : i64, tpu.core_type = #tpu.core_type<tc>} {
    %get3A = arith.constant 0 : index
    %get3A_0 = arith.constant 0 : index
    %get3A_1 = vector.load %arg0[%get3A, %get3A_0] : memref<64x128xf32, #tpu.memory_space<vmem>>, vector<64x128xf32>
    %get3A_2 = arith.constant 0 : index
    %get3A_3 = arith.constant 0 : index
    %get3A_4 = vector.load %arg1[%get3A_2, %get3A_3] : memref<64x128xf32, #tpu.memory_space<vmem>>, vector<64x128xf32>
    %add3A = arith.addf %get3A_1, %get3A_4 : vector<64x128xf32>
    %min3A = arith.constant 1.000000e+00 : f32
    %min3A_5 = vector.broadcast %min3A : f32 to vector<64x128xf32>
    %min3A_6 = arith.minimumf %add3A, %min3A_5 : vector<64x128xf32>
    %transpose3A = tpu.transpose %min3A_6, [1, 0] : vector<64x128xf32> -> vector<128x64xf32>
    %iota3A = tpu.iota {dimensions = array<i32: 0>} : vector<128x1xi32>
    %iota3A_7 = tpu.iota {dimensions = array<i32: 1>} : vector<1x64xi32>
    %iota3A_8 = tpu.iota {dimensions = array<i32: 0>} : vector<128x128xi32>
    %iota3A_9 = tpu.iota {dimensions = array<i32: 1>} : vector<128x128xi32>
    %le3A = arith.cmpi sle, %iota3A_9, %iota3A_8 : vector<128x128xi32>
    %convert_element_type3A = arith.extui %le3A : vector<128x128xi1> to vector<128x128xi32>
    %convert_element_type3A_10 = arith.sitofp %convert_element_type3A : vector<128x128xi32> to vector<128x128xf32>
    %dot_general3A = arith.constant dense<0.000000e+00> : vector<128x64xf32>
    %dot_general3A_11 = tpu.matmul %convert_element_type3A_10, %transpose3A, %dot_general3A {dimension_numbers = #tpu.dot_dimension_numbers<[1], [0], [0], [1], [0, 0, 1, 1], [], []>, transpose_lhs_hint = false} : vector<128x128xf32>, vector<128x64xf32>, vector<128x64xf32> -> vector<128x64xf32>
    %slice3A = vector.extract_strided_slice %dot_general3A_11 {offsets = [127, 0], sizes = [1, 64], strides = [1, 1]} : vector<128x64xf32> to vector<1x64xf32>
    %iota3A_12 = tpu.iota {dimensions = array<i32: 0>} : vector<64x64xi32>
    %iota3A_13 = tpu.iota {dimensions = array<i32: 1>} : vector<64x64xi32>
    %lt3A = arith.cmpi slt, %iota3A_12, %iota3A_13 : vector<64x64xi32>
    %convert_element_type3A_14 = arith.extui %lt3A : vector<64x64xi1> to vector<64x64xi32>
    %convert_element_type3A_15 = arith.sitofp %convert_element_type3A_14 : vector<64x64xi32> to vector<64x64xf32>
    %dot_general3A_16 = arith.constant dense<0.000000e+00> : vector<1x64xf32>
    %dot_general3A_17 = tpu.matmul %slice3A, %convert_element_type3A_15, %dot_general3A_16 {dimension_numbers = #tpu.dot_dimension_numbers<[1], [0], [0], [1], [0, 0, 1, 1], [], []>, transpose_lhs_hint = false} : vector<1x64xf32>, vector<64x64xf32>, vector<1x64xf32> -> vector<1x64xf32>
    %add3A_18 = vector.broadcast %dot_general3A_17 : vector<1x64xf32> to vector<128x64xf32>
    %add3A_19 = arith.addf %dot_general3A_11, %add3A_18 : vector<128x64xf32>
    %reduce_max3A = vector.shape_cast %add3A_19 : vector<128x64xf32> to vector<1x128x64xf32>
    %reduce_max3A_20 = arith.constant dense<0xFF800000> : vector<1xf32>
    %reduce_max3A_21 = vector.multi_reduction <maximumf>, %reduce_max3A, %reduce_max3A_20 [1, 2] : vector<1x128x64xf32> to vector<1xf32>
    %reduce_max3A_22 = vector.shape_cast %reduce_max3A_21 : vector<1xf32> to vector<1x1x1xf32>
    %reduce_max3A_23 = vector.extract %reduce_max3A_22[0, 0, 0] : f32 from vector<1x1x1xf32>
    %mul3A = arith.constant 128 : i32
    %mul3A_24 = vector.broadcast %mul3A : i32 to vector<1x64xi32>
    %mul3A_25 = arith.muli %mul3A_24, %iota3A_7 : vector<1x64xi32>
    %add3A_26 = vector.broadcast %iota3A : vector<128x1xi32> to vector<128x64xi32>
    %add3A_27 = vector.broadcast %mul3A_25 : vector<1x64xi32> to vector<128x64xi32>
    %add3A_28 = arith.addi %add3A_26, %add3A_27 : vector<128x64xi32>
    %convert_element_type3A_29 = arith.sitofp %add3A_28 : vector<128x64xi32> to vector<128x64xf32>
    %gt3A = arith.constant 5.000000e-01 : f32
    %gt3A_30 = vector.broadcast %gt3A : f32 to vector<128x64xf32>
    %gt3A_31 = arith.cmpf ogt, %transpose3A, %gt3A_30 : vector<128x64xf32>
    %sub3A = arith.constant 1.000000e+00 : f32
    %sub3A_32 = vector.broadcast %sub3A : f32 to vector<128x64xf32>
    %sub3A_33 = arith.subf %add3A_19, %sub3A_32 : vector<128x64xf32>
    %add3A_34 = vector.broadcast %reduce_max3A_23 : f32 to vector<128x64xf32>
    %add3A_35 = arith.addf %add3A_34, %convert_element_type3A_29 : vector<128x64xf32>
    %sub3A_36 = arith.subf %add3A_35, %add3A_19 : vector<128x64xf32>
    %select_n3A = arith.select %gt3A_31, %sub3A_33, %sub3A_36 : vector<128x64xi1>, vector<128x64xf32>
    %convert_element_type3A_37 = arith.fptosi %select_n3A : vector<128x64xf32> to vector<128x64xi32>
    %lt3A_38 = vector.broadcast %reduce_max3A_23 : f32 to vector<128x64xf32>
    %lt3A_39 = arith.cmpf olt, %convert_element_type3A_29, %lt3A_38 : vector<128x64xf32>
    %convert_element_type3A_40 = arith.extui %lt3A_39 : vector<128x64xi1> to vector<128x64xi32>
    %convert_element_type3A_41 = arith.sitofp %convert_element_type3A_40 : vector<128x64xi32> to vector<128x64xf32>
    %transpose3A_42 = tpu.transpose %convert_element_type3A_37, [1, 0] : vector<128x64xi32> -> vector<64x128xi32>
    %swap3A = arith.constant 0 : index
    %swap3A_43 = arith.constant 0 : index
    %swap3A_44 = vector.load %arg5[%swap3A, %swap3A_43] : memref<64x128xi32, #tpu.memory_space<vmem>>, vector<64x128xi32>
    tpu.vector_store %arg5[%swap3A, %swap3A_43], %transpose3A_42 {strides = array<i32>} : memref<64x128xi32, #tpu.memory_space<vmem>>, vector<64x128xi32>,
    %transpose3A_45 = tpu.transpose %convert_element_type3A_41, [1, 0] : vector<128x64xf32> -> vector<64x128xf32>
    %swap3A_46 = arith.constant 0 : index
    %swap3A_47 = arith.constant 0 : index
    %swap3A_48 = vector.load %arg6[%swap3A_46, %swap3A_47] : memref<64x128xf32, #tpu.memory_space<vmem>>, vector<64x128xf32>
    tpu.vector_store %arg6[%swap3A_46, %swap3A_47], %transpose3A_45 {strides = array<i32>} : memref<64x128xf32, #tpu.memory_space<vmem>>, vector<64x128xf32>,
    %get3A_49 = arith.constant 0 : index
    %get3A_50 = arith.constant 0 : index
    %get3A_51 = vector.load %arg2[%get3A_49, %get3A_50] : memref<8x1024xf32, #tpu.memory_space<vmem>>, vector<8x1024xf32>
    %get3A_52 = arith.constant 0 : index
    %get3A_53 = arith.constant 0 : index
    %get3A_54 = vector.load %arg3[%get3A_52, %get3A_53] : memref<8x1024xf32, #tpu.memory_space<vmem>>, vector<8x1024xf32>
    %get3A_55 = arith.constant 0 : index
    %get3A_56 = arith.constant 0 : index
    %get3A_57 = vector.load %arg4[%get3A_55, %get3A_56] : memref<8x1024xf32, #tpu.memory_space<vmem>>, vector<8x1024xf32>
    %mul3A_58 = arith.mulf %get3A_54, %get3A_54 : vector<8x1024xf32>
    %mul3A_59 = arith.constant 2.000000e+00 : f32
    %mul3A_60 = vector.broadcast %mul3A_59 : f32 to vector<8x1024xf32>
    %mul3A_61 = arith.mulf %mul3A_60, %get3A_51 : vector<8x1024xf32>
    %mul3A_62 = arith.mulf %mul3A_61, %get3A_54 : vector<8x1024xf32>
    %mul3A_63 = arith.mulf %mul3A_62, %get3A_57 : vector<8x1024xf32>
    %sub3A_64 = arith.subf %mul3A_58, %mul3A_63 : vector<8x1024xf32>
    %mul3A_65 = arith.mulf %get3A_57, %get3A_57 : vector<8x1024xf32>
    %add3A_66 = arith.addf %sub3A_64, %mul3A_65 : vector<8x1024xf32>
    %reduce_sum3A = vector.shape_cast %add3A_66 : vector<8x1024xf32> to vector<1x8x1024xf32>
    %reduce_sum3A_67 = arith.constant dense<0.000000e+00> : vector<1xf32>
    %reduce_sum3A_68 = vector.multi_reduction <add>, %reduce_sum3A, %reduce_sum3A_67 [1, 2] : vector<1x8x1024xf32> to vector<1xf32>
    %reduce_sum3A_69 = vector.shape_cast %reduce_sum3A_68 : vector<1xf32> to vector<1x1x1xf32>
    %reduce_sum3A_70 = vector.extract %reduce_sum3A_69[0, 0, 0] : f32 from vector<1x1x1xf32>
    %mul3A_71 = arith.constant 5.96046448E-7 : f32
    %mul3A_72 = arith.mulf %reduce_sum3A_70, %mul3A_71 : f32
    %broadcast_in_dim3A = vector.broadcast %mul3A_72 : f32 to vector<8x128xf32>
    %swap3A_73 = arith.constant 0 : index
    %swap3A_74 = arith.constant 0 : index
    %swap3A_75 = vector.load %arg7[%swap3A_73, %swap3A_74] : memref<8x128xf32, #tpu.memory_space<vmem>>, vector<8x128xf32>
    tpu.vector_store %arg7[%swap3A_73, %swap3A_74], %broadcast_in_dim3A {strides = array<i32>} : memref<8x128xf32, #tpu.memory_space<vmem>>, vector<8x128xf32>,
    return
  }
}

</mosaic_0001>

<sc_bundles>
// kernel: kernel.6.cloned.1.call-start
scs
__scs_entry_jumppad:
0x0: {  	(pc) =	sbr.rel $0x88, $3  }
0x1: {  	(tag) =	ssettag $0x0;
	lr =	simm.s32 $0x1  }
0x2: {  	[smem:$0x3F9F] =	sst lr;
	_ =	strace $0xD0000000  }
0x3: {  	_ = 	snop  }
0x4: {  	_ = 	snop  }
0x5: {  	_ = 	snop  }
0x6: {  	_ = 	snop  }
0x7: {  	_ = 	snop  }
__scs_overlays_trampoline_lowered:
0x8: {  	[smem:$0x3FAE] =	sst s0  }
0x9: {  	[smem:$0x3FAF] =	sst s1  }
0xa: {  	[smem:$0x3FB0] =	sst s2  }
0xb: {  	[smem:$0x3FB1] =	sst s3  }
0xc: {  	[smem:$0x3FB2] =	sst s4  }
0xd: {  	[smem:$0x3FB3] =	sst s5  }
0xe: {  	[smem:$0x3FB4] =	sst s6  }
0xf: {  	[smem:$0x3FB5] =	sst s7  }
0x10: {  	[smem:$0x3FB6] =	sst s8  }
0x11: {  	[smem:$0x3FB7] =	sst s9;
	s0 =	simm.s32 @!p0 $0x0  }
0x12: {  	s1 =	sld [smem:$0x3F9D];
	s0 =	simm.s32 @p0 $0x1  }
0x13: {  	[smem:$0x3FB8] =	sst s0;
	s0 =	simm.s32 @!p1 $0x0  }
0x14: {  	s2 =	sld [smem:$0x3F9C];
	s0 =	simm.s32 @p1 $0x1  }
0x15: {  	[smem:$0x3FB9] =	sst s0;
	s0 =	simm.s32 @!p2 $0x0  }
0x16: {  	s3 =	sld [smem:$0x3FDB];
	s0 =	simm.s32 @p2 $0x1  }
0x17: {  	s4 =	simm.s32 $0x1BF5;
	[smem:$0x3FBB] =	sst s0  }
0x18: {  	s0 =	sld [smem:$0x3F9E];
	_ =	swait.ge [sflag:s4], $0x0  }
0x19: {  	s7 =	sld [smem:$0x3F9F]  }
0x1a: {  	s8 =	sadd.s32 $0xFFFFE003, lr  }
0x1b: {  	s9 =	sadd.s32 $0xFFFFFEF7, lr;
	s5 =	simm.s32 $0xFFFFFFFF;
	p2 =	slt.u32 s8, $0xFFFFF086  }
0x1c: {  	p1 =	slt.u32 s9, $0xF7A;
	s5 =	simm.s32 @!p2 $0x0  }
0x1d: {  	s5 =	simm.s32 @p1 $0x1;
	p0 =	seq.s32 s7, s2  }
0x1e: {  	s7 =	smul.u32 @!p0 $0xF7A, s2;
	p2 =	seq.s32 @!p0 s5, $0x0  }
0x1f: {  	s9 =	smul.u32 $0xF7A, s1;
	s8 =	simm.s32 @!p0 $0x1BF5;
	p2 =	por !p2, p0  }
0x20: {  	[sflag:s8] =	ssyncset.s32 @!p0 $0xFFFFF086;
	s6 =	sadd.s32 @!p0 s3, s7;
	s7 =	simm.s32 @!p0 $0x108  }
0x21: {  	s3 =	sadd.s32 s3, s9;
	s6 =	sadd.s32 @!p0 $0x88, s6;
	s7 =	simm.s32 @p2 $0x1082  }
0x22: {  	[simem:s7], [sflag:s8] =	dma.local @!p0 [hbm:s6], $0xF7A  }
0x23: {  	s9 =	sor.u32 $0xD0000000, s2;
	s6 =	simm.s32 $0x108;
	_ =	swait.ge @!p0 [sflag:s8], $0x0  }
0x24: {  	s3 =	sadd.s32 $0x88, s3;
	s6 =	simm.s32 @!p1 $0x1082;
	[sflag:s4] =	ssyncset.s32 $0xFFFFF086  }
0x25: {  	[simem:s6], [sflag:s4] =	dma.local [hbm:s3], $0xF7A  }
0x26: {  	[smem:$0x3F9F] =	sst s1;
	(tag) =	ssettag s2;
	_ =	strace s9  }
0x27: {  	s1 =	sld [smem:$0x3FAF]  }
0x28: {  	s2 =	sld [smem:$0x3FB0]  }
0x29: {  	s4 =	sld [smem:$0x3FB2]  }
0x2a: {  	p0 =	seq.s32 s5, $0x0;
	s5 =	sld [smem:$0x3FB3]  }
0x2b: {  	s6 =	sld [smem:$0x3FB4]  }
0x2c: {  	s7 =	sld [smem:$0x3FB5]  }
0x2d: {  	s3 =	simm.s32 $0x108;
	s8 =	sld [smem:$0x3FB6]  }
0x2e: {  	s3 =	simm.s32 @!p0 $0x1082;
	s9 =	sld [smem:$0x3FB7]  }
0x2f: {  	lr =	sadd.s32 s0, s3;
	s0 =	sld [smem:$0x3FAE]  }
0x30: {  	s3 =	sld [smem:$0x3FB1]  }
0x31: {  	[smem:$0x3FBA] =	sst s10  }
0x32: {  	s10 =	sld [smem:$0x3FB8];
	_ =	sdelay $0x3  }
0x33: {  	p0 =	seq.s32 s10, $0x1;
	s10 =	sld [smem:$0x3FBA];
	_ =	sdelay $0x3  }
0x34: {  	[smem:$0x3FBA] =	sst s10  }
0x35: {  	s10 =	sld [smem:$0x3FB9];
	_ =	sdelay $0x3  }
0x36: {  	p1 =	seq.s32 s10, $0x1;
	s10 =	sld [smem:$0x3FBA];
	_ =	sdelay $0x3  }
0x37: {  	[smem:$0x3FBA] =	sst s10  }
0x38: {  	s10 =	sld [smem:$0x3FBB]  }
0x39: {  	_ = 	snop;
	(pc) =	sbr.ind lr, $3  }
0x3a: {  	_ = 	snop  }
0x3b: {  	_ = 	snop  }
0x3c: {  	p2 =	seq.s32 s10, $0x1;
	s10 =	sld [smem:$0x3FBA]  }
0x3d: {  	_ =	shalt  }
0x3e: {  	_ =	shalt  }
0x3f: {  	_ =	shalt  }
0x40: {  	_ =	shalt  }
0x41: {  	_ =	shalt  }
0x42: {  	_ =	shalt  }
0x43: {  	_ =	shalt  }
0x44: {  	_ =	shalt  }
0x45: {  	_ =	shalt  }
0x46: {  	_ =	shalt  }
0x47: {  	_ =	shalt  }
0x48: {  	_ =	shalt  }
0x49: {  	_ =	shalt  }
0x4a: {  	_ =	shalt  }
0x4b: {  	_ =	shalt  }
0x4c: {  	_ =	shalt  }
0x4d: {  	_ =	shalt  }
0x4e: {  	_ =	shalt  }
0x4f: {  	_ =	shalt  }
0x50: {  	_ =	shalt  }
0x51: {  	_ =	shalt  }
0x52: {  	_ =	shalt  }
0x53: {  	_ =	shalt  }
0x54: {  	_ =	shalt  }
0x55: {  	_ =	shalt  }
0x56: {  	_ =	shalt  }
0x57: {  	_ =	shalt  }
0x58: {  	_ =	shalt  }
0x59: {  	_ =	shalt  }
0x5a: {  	_ =	shalt  }
0x5b: {  	_ =	shalt  }
0x5c: {  	_ =	shalt  }
0x5d: {  	_ =	shalt  }
0x5e: {  	_ =	shalt  }
0x5f: {  	_ =	shalt  }
0x60: {  	_ =	shalt  }
0x61: {  	_ =	shalt  }
0x62: {  	_ =	shalt  }
0x63: {  	_ =	shalt  }
0x64: {  	_ =	shalt  }
0x65: {  	_ =	shalt  }
0x66: {  	_ =	shalt  }
0x67: {  	_ =	shalt  }
0x68: {  	_ =	shalt  }
0x69: {  	_ =	shalt  }
0x6a: {  	_ =	shalt  }
0x6b: {  	_ =	shalt  }
0x6c: {  	_ =	shalt  }
0x6d: {  	_ =	shalt  }
0x6e: {  	_ =	shalt  }
0x6f: {  	_ =	shalt  }
0x70: {  	_ =	shalt  }
0x71: {  	_ =	shalt  }
0x72: {  	_ =	shalt  }
0x73: {  	_ =	shalt  }
0x74: {  	_ =	shalt  }
0x75: {  	_ =	shalt  }
0x76: {  	_ =	shalt  }
0x77: {  	_ =	shalt  }
0x78: {  	_ =	shalt  }
0x79: {  	_ =	shalt  }
0x7a: {  	_ =	shalt  }
0x7b: {  	_ =	shalt  }
0x7c: {  	_ =	shalt  }
0x7d: {  	_ =	shalt  }
0x7e: {  	_ =	shalt  }
0x7f: {  	_ =	shalt  }
0x80: {  	_ =	shalt  }
0x81: {  	_ =	shalt  }
0x82: {  	_ =	shalt  }
0x83: {  	_ =	shalt  }
0x84: {  	_ =	shalt  }
0x85: {  	_ =	shalt  }
0x86: {  	_ =	shalt  }
0x87: {  	_ =	shalt  }
.Lfunc_end0:
.L_simem_size_0:
called_computation_lowered:
.L_overlay_start_0:
0x88: {  	s2 =	sld [smem:$0x3FD9]  }
0x89: {  	s3 =	sld [smem:$0x3FFE];
	_ =	sdelay $0x1  }
0x8a: {  	s1 =	srdreg.scid  }
0x8b: {  	s0 =	sand.u32 $0x1, s1  }
0x8c: {  	s14 =	sshll.u32 s0, $0xA;
	s2 =	sadd.s32 s3, s2  }
0x8d: {  	s2 =	sadd.s32 s2, s14  }
0x8e: {  	[smem:$0x3FC6] =	sst s2  }
0x8f: {  	_ = 	snop  }
0x90: {  	s2 =	sld [smem:$0x3FD0];
	_ =	sdelay $0x2  }
0x91: {  	s15 =	simm.s32 $0xA;
	s4 =	simm.s32 $0x10  }
0x92: {  	[smem:s4], [sflag:s15] =	dma.local [hbm:s2], $0x1  }
0x93: {  	_ =	swait.eq [sflag:s15], $0x1  }
0x94: {  	[sflag:s15] =	ssyncset.done $0x0  }
0x95: {  	s16 =	sld [smem:$0x10];
	[sflag:s15] =	ssyncadd.s32 $0xFFFFFFFF  }
0x96: {  	s17 =	sld [smem:$0x11];
	(tm) =	ssettm $0x1  }
0x97: {  	s18 =	sld [smem:$0x3FFB];
	_ =	sdelay $0x3  }
0x98: {  	_ =	strace s18  }
0x99: {  	s4 =	sld [smem:$0x3FFC];
	_ =	sdelay $0x3  }
0x9a: {  	_ =	strace s4  }
0x9b: {  	s4 =	sld [smem:$0x3FFD];
	_ =	sdelay $0x3  }
0x9c: {  	_ =	strace s4  }
0x9d: {  	_ =	strace $0x8FFFFFFF  }
0x9e: {  	s19 =	sld [smem:$0x3FDB];
	_ =	sdelay $0x1  }
0x9f: {  	s5 =	simm.s32 $_scs_section_size  }
0xa0: {  	s6 =	simm.s32 $_size__tile_overlayer_lowered;
	s7 =	simm.s32 $_tile_overlayer_lowered  }
0xa1: {  	s22 =	simm.s32 $0x1BFF;
	s21 =	sshll.u32 s7, $0x1;
	s4 =	sadd.s32 s5, s19  }
0xa2: {  	s8 =	simm.s32 $0x0;
	s20 =	sshll.u32 s6, $0x1;
	s6 =	sadd.s32 s21, s4  }
0xa3: {  	[timem:s8], [sflag:s22] =	dma.local [hbm:s6], s20  }
0xa4: {  	_ =	swait.ge [sflag:s22], s20  }
0xa5: {  	s5 =	ssub.s32 $0x0, s20;
	[sflag:s22] =	ssyncset.done $0x0  }
0xa6: {  	[sflag:s22] =	ssyncadd.s32 s5;
	_ =	sdelay $0x1  }
0xa7: {  	s23 =	simm.s32 $0x1B8B  }
0xa8: {  	_ =	swait.ge [sflag:s23], $0x1  }
0xa9: {  	[sflag:s23] =	ssyncset.done $0x0  }
0xaa: {  	s25 =	simm.s32 $0x1B8E;
	s24 =	sld [smem:$0x3FFE];
	[sflag:s23] =	ssyncadd.s32 $0xFFFFFFFF  }
0xab: {  	s26 =	simm.s32 $execute0_lowered;
	[smem:$0x3FD2] =	sst s25  }
0xac: {  	s6 =	sshll.u32 s26, $0x1;
	_ =	strace $0x80000046;
	[dreg:$0x1] =	wrdreg $0xFFFFFFFF  }
0xad: {  	s28 =	simm.s32 $_size_execute0_lowered;
	s4 =	sadd.s32 s4, s6;
	[dreg:$0x0] =	wrdreg $0x0  }
0xae: {  	s6 =	sshll.u32 s28, $0x1;
	[dreg:$0x2] =	wrdreg s4  }
0xaf: {  	[dreg:$0x3] =	wrdreg s6  }
0xb0: {  	[dreg:$0x4] =	wrdreg $0xC0  }
0xb1: {  	_ =	task [dreg:s8], $0x5FFFF  }
0xb2: {  	[dreg:$0x1] =	wrdreg $0xFFFFFFFF  }
0xb3: {  	[dreg:$0x0] =	wrdreg $0x60  }
0xb4: {  	[dreg:$0x2] =	wrdreg s24  }
0xb5: {  	[dreg:$0x3] =	wrdreg s17  }
0xb6: {  	[dreg:$0x4] =	wrdreg s16  }
0xb7: {  	[dreg:$0x5] =	wrdreg $0x23800  }
0xb8: {  	[dreg:$0x6] =	wrdreg $0x9  }
0xb9: {  	_ =	task.clear_ibuf [dreg:s8], $0x7FFFF;
	_ =	strace $0x90000046  }
0xba: {  	s29 =	simm.s32 $0x9;
	_ =	strace $0x80000048  }
0xbb: {  	_ =	swait.ge [sflag:s29], $0x1  }
0xbc: {  	[sflag:s29] =	ssyncadd.s32 $0xFFFFFFFF  }
0xbd: {  	_ =	strace $0x90000048  }
0xbe: {  	_ =	sfence  }
0xbf: {  	s30 =	sld [smem:$0x0];
	_ =	sdelay $0x2  }
0xc0: {  	s31 =	sshll.u32 s1, $0xD;
	s1 =	sshrl.u32 s1, $0x2  }
0xc1: {  	s3 =	sand.u32 $0x4000, s31;
	s1 =	sadd.s32 s1, s30  }
0xc2: {  	s0 =	sor.u32 s3, s0;
	s1 =	sshll.u32 s1, $0x11  }
0xc3: {  	s0 =	sor.u32 s1, s0  }
0xc4: {  	s0 =	sadd.s32 $0x8F2B, s0  }
0xc5: {  	[sflag:s0] =	ssyncadd.remote.s32 $0x1  }
0xc6: {  	_ =	sfence.sel $0xFFFF  }
0xc7: {  	[dreg:$0x0] =	wrdreg $0xFFFFFFFF;
	(pc) =	sbr.abs _section_cstart, $3  }
0xc8: {  	[dreg:$0x1] =	wrdreg $0xFFFFFFFF  }
0xc9: {  	_ =	task.clear_ibuf [dreg:s8], $0x2FFFF;
	_ =	strace $0x9FFFFFFF  }
0xca: {  	(tm) =	ssettm $0x7FFFFFFF  }
0xcb: {  	_ =	shalt  }
tec
execute0_lowered:
.L_overlay_start_1:
0x0: {  	(tag) =	ssettag $0x1  }
0x1: {  	s15 =	rddreg [dreg:$0x0]  }
0x2: {  	s1 =	rddreg [dreg:$0x1];
	s0 =	srdreg.scid  }
0x3: {  	s23 =	rddreg [dreg:$0x2];
	s10 =	stileid.u32;
	s26 =	sand.u32 $0x1, s0  }
0x4: {  	s2 =	rddreg [dreg:$0x3];
	s4 =	sshll.u32 s10, $0x6;
	s5 =	sshll.u32 s26, $0x5  }
0x5: {  	s3 =	simm.s32 $0x0;
	s0 =	rddreg [dreg:$0x4];
	s4 =	sor.u32 s5, s4  }
0x6: {  	[smem:$0x7FF] =	sst s3;
	s28 =	sadd.s32 s4, s15  }
0x7: {  	_ =	strace $0x80000047;
	s4 =	simm.s32 $0x1;
	s5 =	sadd.s32 $0x1E00, s28  }
0x8: {  	[tilespmem:s3], [sflag:$0x1] =	stream.linear.gather [hbm4b:s5+s3], $0x100, $0x38;
	[tilespmem:$0x2580] =	vst v63  }
0x9: {  	_ =	swait.ge [sflag:s4], $0x100  }
0xa: {  	[sflag:s4] =	ssyncset.done $0x0  }
0xb: {  	s6 =	simm.s32 $0x100;
	[sflag:s4] =	ssyncadd.s32 $0xFFFFFF00  }
0xc: {  	[tilespmem:s6], [sflag:$0x1] =	stream.linear.gather [hbm4b:s5+s3], $0x80, $0x38;
	[tilespmem:$0x2580] =	vst v63  }
0xd: {  	_ =	swait.ge [sflag:s4], $0x80  }
0xe: {  	[sflag:s4] =	ssyncset.done $0x0  }
0xf: {  	s8 =	simm.s32 $0x180;
	s7 =	sadd.s32 $0x1E10, s28;
	[sflag:s4] =	ssyncadd.s32 $0xFFFFFF80  }
0x10: {  	[tilespmem:s8], [sflag:$0x1] =	stream.linear.gather [hbm4b:s7+s3], $0x80, $0x38;
	[tilespmem:$0x2580] =	vst v63  }
0x11: {  	_ =	swait.ge [sflag:s4], $0x80  }
0x12: {  	[sflag:s4] =	ssyncset.done $0x0  }
0x13: {  	s9 =	simm.s32 $0x200;
	[sflag:s4] =	ssyncadd.s32 $0xFFFFFF80  }
0x14: {  	[tilespmem:s9], [sflag:$0x1] =	stream.linear.gather [hbm4b:s1+s3], $0x2000, $0x38;
	[tilespmem:$0x2580] =	vst v63  }
0x15: {  	_ =	swait.ge [sflag:s4], $0x2000  }
0x16: {  	[sflag:s4] =	ssyncset.done $0x0  }
0x17: {  	v0 =	vimm.f32 $1.000000000e+00;
	[sflag:s4] =	ssyncadd.s32 $0xFFFFE000  }
0x18: {  	[tilespmem:$0x2370] =	vst v0  }
0x19: {  	[tilespmem:$0x2360] =	vst v0  }
0x1a: {  	[tilespmem:$0x2350] =	vst v0  }
0x1b: {  	[tilespmem:$0x2340] =	vst v0  }
0x1c: {  	[tilespmem:$0x2330] =	vst v0  }
0x1d: {  	[tilespmem:$0x2320] =	vst v0  }
0x1e: {  	p0 =	sne.s32 s10, $0x0;
	[tilespmem:$0x2300] =	vst v0  }
0x1f: {  	s10 =	simm.s32 @p0 $0x80;
	s11 =	simm.s32 @p0 $0x100;
	[tilespmem:$0x2310] =	vst v0  }
0x20: {  	s12 =	simm.s32 @p0 $0x2300;
	s13 =	simm.s32 @p0 $0x1;
	[bflag:$0x0] =	sbarrier.arrive @p0 $0xFFFF  }
0x21: {  	[spmem:s2] =	stream.indirect.scatter.add.f32 @p0 [tilespmem:s12], [sflag:$0x1], $0x1, s11, s10, $0xb8;
	[tilespmem:$0x2580] =	vst v63  }
0x22: {  	_ =	swait.ge @p0 [sflag:s13], $0x80  }
0x23: {  	[sflag:s13] =	ssyncset.done @p0 $0x0  }
0x24: {  	s14 =	simm.s32 @p0 $0x180;
	[sflag:s13] =	ssyncadd.s32 @p0 $0xFFFFFF80  }
0x25: {  	[spmem:s2] =	stream.indirect.scatter.add.f32 @p0 [tilespmem:s12], [sflag:$0x1], $0x1, s14, s10, $0xb8;
	[tilespmem:$0x2580] =	vst v63  }
0x26: {  	_ =	swait.ge @p0 [sflag:s13], $0x80  }
0x27: {  	[sflag:s13] =	ssyncset.done @p0 $0x0  }
0x28: {  	s16 =	sshrl.u32 @!p0 s2, $0x3;
	s17 =	simm.s32 @!p0 $0x1C01;
	[sflag:s13] =	ssyncadd.s32 @p0 $0xFFFFFF80  }
0x29: {  	s18 =	simm.s32 @!p0 $0x1;
	s15 =	sadd.s32 $0x2200, s15;
	[bflag:$0x0] =	sbarrier.arrive @p0 $0xFFFF  }
0x2a: {  	[spmem:s16], [sflag:s17] =	dma.local @!p0 [hbm:s15], $0x400  }
0x2b: {  	_ =	swait.ge @!p0 [sflag:s18], $0x400  }
0x2c: {  	[sflag:s18] =	ssyncset.done @!p0 $0x0  }
0x2d: {  	s19 =	simm.s32 @!p0 $0x2300;
	[sflag:s18] =	ssyncadd.s32 @!p0 $0xFFFFFC00  }
0x2e: {  	s20 =	simm.s32 @!p0 $0x80;
	s21 =	simm.s32 @!p0 $0x100;
	[bflag:$0x0] =	sbarrier.arrive @!p0 $0xFFFF  }
0x2f: {  	[spmem:s2] =	stream.indirect.scatter.add.f32 @!p0 [tilespmem:s19], [sflag:$0x1], $0x1, s21, s20, $0xb8;
	[tilespmem:$0x2580] =	vst v63  }
0x30: {  	_ =	swait.ge @!p0 [sflag:s18], $0x80  }
0x31: {  	[sflag:s18] =	ssyncset.done @!p0 $0x0  }
0x32: {  	s22 =	simm.s32 @!p0 $0x180;
	[sflag:s18] =	ssyncadd.s32 @!p0 $0xFFFFFF80  }
0x33: {  	[spmem:s2] =	stream.indirect.scatter.add.f32 @!p0 [tilespmem:s19], [sflag:$0x1], $0x1, s22, s20, $0xb8;
	[tilespmem:$0x2580] =	vst v63  }
0x34: {  	_ =	swait.ge @!p0 [sflag:s18], $0x80  }
0x35: {  	[sflag:s18] =	ssyncset.done @!p0 $0x0  }
0x36: {  	s24 =	sshll.u32 s26, $0x4;
	s25 =	simm.s32 @!p0 $0x10;
	[sflag:s18] =	ssyncadd.s32 @!p0 $0xFFFFFF80  }
0x37: {  	s23 =	sadd.s32 s23, s24;
	s24 =	simm.s32 @!p0 $0x20;
	[bflag:$0x0] =	sbarrier.arrive @!p0 $0xFFFF  }
0x38: {  	[hbm:s23@s24], [sflag:s17] =	dma.strided @!p0 [spmem:s16@s25], $0x400, s18, $0x10   }
0x39: {  	_ =	swait.ge @!p0 [sflag:s18], $0x400  }
0x3a: {  	[sflag:s18] =	ssyncset.done @!p0 $0x0  }
0x3b: {  	[sflag:s18] =	ssyncadd.s32 @!p0 $0xFFFFFC00  }
0x3c: {  	v1 =	vld [tilespmem:$0x0];
	_ =	sdelay $0x5  }
0x3d: {  	v2 =	vld [tilespmem:$0x10];
	_ =	sdelay $0x1  }
0x3e: {  	v1 =	vld.idx.msk [tilespmem:v1+s9+$0x0], $0xffff;
	_ =	sdelay $0x3  }
0x3f: {  	v3 =	vld [tilespmem:$0x20]  }
0x40: {  	[tilespmem:$0x2200] =	vst v1  }
0x41: {  	v1 =	vld.idx.msk [tilespmem:v2+s9+$0x0], $0xffff;
	_ =	sdelay $0x3  }
0x42: {  	v2 =	vld [tilespmem:$0x30]  }
0x43: {  	[tilespmem:$0x2210] =	vst v1  }
0x44: {  	v1 =	vld.idx.msk [tilespmem:v3+s9+$0x0], $0xffff;
	_ =	sdelay $0x3  }
0x45: {  	v3 =	vld [tilespmem:$0x40]  }
0x46: {  	[tilespmem:$0x2220] =	vst v1  }
0x47: {  	v1 =	vld.idx.msk [tilespmem:v2+s9+$0x0], $0xffff;
	_ =	sdelay $0x3  }
0x48: {  	v2 =	vld [tilespmem:$0x50]  }
0x49: {  	[tilespmem:$0x2230] =	vst v1  }
0x4a: {  	v1 =	vld.idx.msk [tilespmem:v3+s9+$0x0], $0xffff;
	_ =	sdelay $0x3  }
0x4b: {  	v3 =	vld [tilespmem:$0x60]  }
0x4c: {  	[tilespmem:$0x2240] =	vst v1  }
0x4d: {  	v1 =	vld.idx.msk [tilespmem:v2+s9+$0x0], $0xffff;
	_ =	sdelay $0x3  }
0x4e: {  	v2 =	vld [tilespmem:$0x70]  }
0x4f: {  	[tilespmem:$0x2250] =	vst v1  }
0x50: {  	v1 =	vld.idx.msk [tilespmem:v3+s9+$0x0], $0xffff;
	_ =	sdelay $0x3  }
0x51: {  	v3 =	vld [tilespmem:$0x80]  }
0x52: {  	[tilespmem:$0x2260] =	vst v1  }
0x53: {  	v1 =	vld.idx.msk [tilespmem:v2+s9+$0x0], $0xffff;
	_ =	sdelay $0x3  }
0x54: {  	v2 =	vld [tilespmem:$0x90]  }
0x55: {  	[tilespmem:$0x2270] =	vst v1  }
0x56: {  	v1 =	vld.idx.msk [tilespmem:v3+s9+$0x0], $0xffff;
	_ =	sdelay $0x3  }
0x57: {  	v3 =	vld [tilespmem:$0xA0]  }
0x58: {  	[tilespmem:$0x2280] =	vst v1  }
0x59: {  	v1 =	vld.idx.msk [tilespmem:v2+s9+$0x0], $0xffff;
	_ =	sdelay $0x3  }
0x5a: {  	v2 =	vld [tilespmem:$0xB0]  }
0x5b: {  	[tilespmem:$0x2290] =	vst v1  }
0x5c: {  	v1 =	vld.idx.msk [tilespmem:v3+s9+$0x0], $0xffff;
	_ =	sdelay $0x3  }
0x5d: {  	v3 =	vld [tilespmem:$0xC0]  }
0x5e: {  	[tilespmem:$0x22A0] =	vst v1  }
0x5f: {  	v1 =	vld.idx.msk [tilespmem:v2+s9+$0x0], $0xffff;
	_ =	sdelay $0x3  }
0x60: {  	v2 =	vld [tilespmem:$0xD0]  }
0x61: {  	[tilespmem:$0x22B0] =	vst v1  }
0x62: {  	v1 =	vld.idx.msk [tilespmem:v3+s9+$0x0], $0xffff;
	_ =	sdelay $0x3  }
0x63: {  	v3 =	vld [tilespmem:$0xE0]  }
0x64: {  	[tilespmem:$0x22C0] =	vst v1  }
0x65: {  	v1 =	vld.idx.msk [tilespmem:v2+s9+$0x0], $0xffff;
	_ =	sdelay $0x1  }
0x66: {  	s26 =	ssub.s32 $0x2, s26  }
0x67: {  	s29 =	sshrl.u32 s26, $0x1  }
0x68: {  	s26 =	ssub.s32 s26, s29;
	v2 =	vld [tilespmem:$0xF0]  }
0x69: {  	s26 =	smax.u32 s26, $0x1;
	[tilespmem:$0x22D0] =	vst v1  }
0x6a: {  	s26 =	sadd.s32 $0xFFFFFFFF, s26;
	v1 =	vld.idx.msk [tilespmem:v3+s9+$0x0], $0xffff  }
0x6b: {  	p1 =	sne.s32 s26, $0x0  }
.Ltmp0:
0x6c: {  	_ = 	snop;
	(pc) =	sbr.rel @!p1 .LBB2_2-.Ltmp0, $3  }
0x6d: {  	_ =	sdelay $0x1  }
0x6e: {  	[tilespmem:$0x22E0] =	vst v1  }
0x6f: {  	s29 =	simm.s32 $0x2200;
	s28 =	sadd.s32 $0x2600, s28;
	v1 =	vld.idx.msk [tilespmem:v2+s9+$0x0], $0xffff  }
.LBB2_1:
0x70: {  	_ = 	snop  }
0x71: {  	s26 =	sadd.s32 $0xFFFFFFFF, s26  }
0x72: {  	p1 =	sne.s32 s26, $0x0;
	_ =	sdelay $0x1  }
0x73: {  	[tilespmem:$0x22F0] =	vst v1  }
0x74: {  	[hbm4b:s28+s3] =	stream.linear.scatter [tilespmem:s29], [sflag:$0x1], $0x100, $0x38;
	[tilespmem:$0x2580] =	vst v63  }
0x75: {  	_ =	swait.ge [sflag:s4], $0x100  }
0x76: {  	[sflag:s4] =	ssyncset.done $0x0  }
0x77: {  	[sflag:s4] =	ssyncadd.s32 $0xFFFFFF00  }
0x78: {  	[tilespmem:s3], [sflag:$0x1] =	stream.linear.gather [hbm4b:s5+s3], $0x100, $0x38;
	[tilespmem:$0x2580] =	vst v63  }
0x79: {  	_ =	swait.ge [sflag:s4], $0x100  }
0x7a: {  	[sflag:s4] =	ssyncset.done $0x0  }
0x7b: {  	[sflag:s4] =	ssyncadd.s32 $0xFFFFFF00  }
0x7c: {  	[tilespmem:s6], [sflag:$0x1] =	stream.linear.gather [hbm4b:s5+s3], $0x80, $0x38;
	[tilespmem:$0x2580] =	vst v63  }
0x7d: {  	_ =	swait.ge [sflag:s4], $0x80  }
0x7e: {  	[sflag:s4] =	ssyncset.done $0x0  }
0x7f: {  	[sflag:s4] =	ssyncadd.s32 $0xFFFFFF80  }
0x80: {  	[tilespmem:s8], [sflag:$0x1] =	stream.linear.gather [hbm4b:s7+s3], $0x80, $0x38;
	[tilespmem:$0x2580] =	vst v63  }
0x81: {  	_ =	swait.ge [sflag:s4], $0x80  }
0x82: {  	[sflag:s4] =	ssyncset.done $0x0  }
0x83: {  	[sflag:s4] =	ssyncadd.s32 $0xFFFFFF80  }
0x84: {  	[tilespmem:s9], [sflag:$0x1] =	stream.linear.gather [hbm4b:s1+s3], $0x2000, $0x38;
	[tilespmem:$0x2580] =	vst v63  }
0x85: {  	_ =	swait.ge [sflag:s4], $0x2000  }
0x86: {  	[sflag:s4] =	ssyncset.done $0x0  }
0x87: {  	[sflag:s4] =	ssyncadd.s32 $0xFFFFE000  }
0x88: {  	[tilespmem:$0x2370] =	vst v0  }
0x89: {  	[tilespmem:$0x2360] =	vst v0  }
0x8a: {  	[tilespmem:$0x2350] =	vst v0  }
0x8b: {  	[tilespmem:$0x2340] =	vst v0  }
0x8c: {  	[tilespmem:$0x2330] =	vst v0  }
0x8d: {  	[tilespmem:$0x2320] =	vst v0  }
0x8e: {  	[tilespmem:$0x2300] =	vst v0  }
0x8f: {  	[tilespmem:$0x2310] =	vst v0  }
0x90: {  	[bflag:$0x0] =	sbarrier.arrive @p0 $0xFFFF  }
0x91: {  	[spmem:s2] =	stream.indirect.scatter.add.f32 @p0 [tilespmem:s12], [sflag:$0x1], $0x1, s11, s10, $0xb8;
	[tilespmem:$0x2580] =	vst v63  }
0x92: {  	_ =	swait.ge @p0 [sflag:s13], $0x80  }
0x93: {  	[sflag:s13] =	ssyncset.done @p0 $0x0  }
0x94: {  	[sflag:s13] =	ssyncadd.s32 @p0 $0xFFFFFF80  }
0x95: {  	[spmem:s2] =	stream.indirect.scatter.add.f32 @p0 [tilespmem:s12], [sflag:$0x1], $0x1, s14, s10, $0xb8;
	[tilespmem:$0x2580] =	vst v63  }
0x96: {  	_ =	swait.ge @p0 [sflag:s13], $0x80  }
0x97: {  	[sflag:s13] =	ssyncset.done @p0 $0x0  }
0x98: {  	[sflag:s13] =	ssyncadd.s32 @p0 $0xFFFFFF80  }
0x99: {  	[bflag:$0x0] =	sbarrier.arrive @p0 $0xFFFF  }
0x9a: {  	[spmem:s16], [sflag:s17] =	dma.local @!p0 [hbm:s15], $0x400  }
0x9b: {  	_ =	swait.ge @!p0 [sflag:s18], $0x400  }
0x9c: {  	[sflag:s18] =	ssyncset.done @!p0 $0x0  }
0x9d: {  	[sflag:s18] =	ssyncadd.s32 @!p0 $0xFFFFFC00  }
0x9e: {  	[bflag:$0x0] =	sbarrier.arrive @!p0 $0xFFFF  }
0x9f: {  	[spmem:s2] =	stream.indirect.scatter.add.f32 @!p0 [tilespmem:s19], [sflag:$0x1], $0x1, s21, s20, $0xb8;
	[tilespmem:$0x2580] =	vst v63  }
0xa0: {  	_ =	swait.ge @!p0 [sflag:s18], $0x80  }
0xa1: {  	[sflag:s18] =	ssyncset.done @!p0 $0x0  }
0xa2: {  	[sflag:s18] =	ssyncadd.s32 @!p0 $0xFFFFFF80  }
0xa3: {  	[spmem:s2] =	stream.indirect.scatter.add.f32 @!p0 [tilespmem:s19], [sflag:$0x1], $0x1, s22, s20, $0xb8;
	[tilespmem:$0x2580] =	vst v63  }
0xa4: {  	_ =	swait.ge @!p0 [sflag:s18], $0x80  }
0xa5: {  	[sflag:s18] =	ssyncset.done @!p0 $0x0  }
0xa6: {  	[sflag:s18] =	ssyncadd.s32 @!p0 $0xFFFFFF80  }
0xa7: {  	[bflag:$0x0] =	sbarrier.arrive @!p0 $0xFFFF  }
0xa8: {  	[hbm:s23@s24], [sflag:s17] =	dma.strided @!p0 [spmem:s16@s25], $0x400, s18, $0x10   }
0xa9: {  	_ =	swait.ge @!p0 [sflag:s18], $0x400  }
0xaa: {  	[sflag:s18] =	ssyncset.done @!p0 $0x0  }
0xab: {  	[sflag:s18] =	ssyncadd.s32 @!p0 $0xFFFFFC00  }
0xac: {  	v1 =	vld [tilespmem:$0x0];
	_ =	sdelay $0x5  }
0xad: {  	v2 =	vld [tilespmem:$0x10];
	_ =	sdelay $0x1  }
0xae: {  	v1 =	vld.idx.msk [tilespmem:v1+s9+$0x0], $0xffff;
	_ =	sdelay $0x4  }
0xaf: {  	v3 =	vld [tilespmem:$0x20]  }
0xb0: {  	[tilespmem:$0x2200] =	vst v1  }
0xb1: {  	v1 =	vld.idx.msk [tilespmem:v2+s9+$0x0], $0xffff;
	_ =	sdelay $0x4  }
0xb2: {  	v2 =	vld [tilespmem:$0x30]  }
0xb3: {  	[tilespmem:$0x2210] =	vst v1  }
0xb4: {  	v1 =	vld.idx.msk [tilespmem:v3+s9+$0x0], $0xffff;
	_ =	sdelay $0x4  }
0xb5: {  	v3 =	vld [tilespmem:$0x40]  }
0xb6: {  	[tilespmem:$0x2220] =	vst v1  }
0xb7: {  	v1 =	vld.idx.msk [tilespmem:v2+s9+$0x0], $0xffff;
	_ =	sdelay $0x4  }
0xb8: {  	v2 =	vld [tilespmem:$0x50]  }
0xb9: {  	[tilespmem:$0x2230] =	vst v1  }
0xba: {  	v1 =	vld.idx.msk [tilespmem:v3+s9+$0x0], $0xffff;
	_ =	sdelay $0x4  }
0xbb: {  	v3 =	vld [tilespmem:$0x60]  }
0xbc: {  	[tilespmem:$0x2240] =	vst v1  }
0xbd: {  	v1 =	vld.idx.msk [tilespmem:v2+s9+$0x0], $0xffff;
	_ =	sdelay $0x4  }
0xbe: {  	v2 =	vld [tilespmem:$0x70]  }
0xbf: {  	[tilespmem:$0x2250] =	vst v1  }
0xc0: {  	v1 =	vld.idx.msk [tilespmem:v3+s9+$0x0], $0xffff;
	_ =	sdelay $0x4  }
0xc1: {  	v3 =	vld [tilespmem:$0x80]  }
0xc2: {  	[tilespmem:$0x2260] =	vst v1  }
0xc3: {  	v1 =	vld.idx.msk [tilespmem:v2+s9+$0x0], $0xffff;
	_ =	sdelay $0x4  }
0xc4: {  	v2 =	vld [tilespmem:$0x90]  }
0xc5: {  	[tilespmem:$0x2270] =	vst v1  }
0xc6: {  	v1 =	vld.idx.msk [tilespmem:v3+s9+$0x0], $0xffff;
	_ =	sdelay $0x4  }
0xc7: {  	v3 =	vld [tilespmem:$0xA0]  }
0xc8: {  	[tilespmem:$0x2280] =	vst v1  }
0xc9: {  	v1 =	vld.idx.msk [tilespmem:v2+s9+$0x0], $0xffff;
	_ =	sdelay $0x4  }
0xca: {  	v2 =	vld [tilespmem:$0xB0]  }
0xcb: {  	[tilespmem:$0x2290] =	vst v1  }
0xcc: {  	v1 =	vld.idx.msk [tilespmem:v3+s9+$0x0], $0xffff;
	_ =	sdelay $0x4  }
0xcd: {  	v3 =	vld [tilespmem:$0xC0]  }
0xce: {  	[tilespmem:$0x22A0] =	vst v1  }
0xcf: {  	v1 =	vld.idx.msk [tilespmem:v2+s9+$0x0], $0xffff;
	_ =	sdelay $0x4  }
0xd0: {  	v2 =	vld [tilespmem:$0xD0]  }
0xd1: {  	[tilespmem:$0x22B0] =	vst v1  }
0xd2: {  	v1 =	vld.idx.msk [tilespmem:v3+s9+$0x0], $0xffff;
	_ =	sdelay $0x4  }
0xd3: {  	v3 =	vld [tilespmem:$0xE0]  }
0xd4: {  	[tilespmem:$0x22C0] =	vst v1  }
0xd5: {  	v1 =	vld.idx.msk [tilespmem:v2+s9+$0x0], $0xffff;
	_ =	sdelay $0x4  }
0xd6: {  	v2 =	vld [tilespmem:$0xF0]  }
0xd7: {  	[tilespmem:$0x22D0] =	vst v1  }
0xd8: {  	v1 =	vld.idx.msk [tilespmem:v3+s9+$0x0], $0xffff;
	_ =	sdelay $0x2  }
.Ltmp1:
0xd9: {  	(pc) =	sbr.rel @p1 .LBB2_1-.Ltmp1, $3  }
0xda: {  	_ =	sdelay $0x1  }
0xdb: {  	[tilespmem:$0x22E0] =	vst v1  }
0xdc: {  	v1 =	vld.idx.msk [tilespmem:v2+s9+$0x0], $0xffff  }
.LBB2_2:
0xdd: {  	_ =	sdelay $0x3  }
0xde: {  	[tilespmem:$0x22F0] =	vst v1  }
0xdf: {  	[hbm4b:s28+s3] =	stream.linear.scatter [tilespmem:s29], [sflag:$0x1], $0x100, $0x38;
	[tilespmem:$0x2580] =	vst v63  }
0xe0: {  	_ =	swait.ge [sflag:s4], $0x100  }
0xe1: {  	[sflag:s4] =	ssyncset.done $0x0  }
0xe2: {  	[sflag:s4] =	ssyncadd.s32 $0xFFFFFF00  }
0xe3: {  	_ =	sfence.sel $0x180000  }
0xe4: {  	[bflag:$0x0] =	sbarrier.arrive $0xFFFF  }
0xe5: {  	_ =	strace $0x90000047  }
0xe6: {  	s0 =	sadd.s32 @!p0 $0x100000, s0;
	[bflag:$0x2] =	sbarrier.arrive $0xFFFF  }
0xe7: {  	[sflag:s0] =	ssyncadd.tile.s32 @!p0 $0x1;
	_ =	shalt  }
.Lfunc_end2:
_tile_overlayer_lowered:
.L_overlay_start_2:
0xe8: {  	(tag) =	ssettag $0x2  }
0xe9: {  	s0 =	rddreg [dreg:$0x0];
	s2 =	stileid.u32  }
0xea: {  	s1 =	rddreg [dreg:$0x1];
	p0 =	sne.s32 s2, $0x0  }
0xeb: {  	s3 =	rddreg [dreg:$0x2];
	[bflag:$0x3] =	sbarrier.arrive $0xFFFF;
	s2 =	simm.s32 @!p0 $0x1C01  }
0xec: {  	[timem:s3], [sflag:s2] =	dma.local @!p0 [hbm:s0], s1  }
0xed: {  	s0 =	simm.s32 @!p0 $0x1  }
0xee: {  	_ =	swait.ge @!p0 [sflag:s0], s1  }
0xef: {  	s1 =	ssub.s32 @!p0 $0x0, s1;
	[sflag:s0] =	ssyncset.done @!p0 $0x0  }
0xf0: {  	[sflag:s0] =	ssyncadd.s32 @!p0 s1  }
0xf1: {  	[bflag:$0x3] =	sbarrier.arrive $0xFFFF  }
0xf2: {  	_ =	shalt  }

// kernel: kernel.9.cloned.1.call-start
scs
__scs_entry_jumppad:
0x0: {  	(pc) =	sbr.rel $0x88, $3  }
0x1: {  	(tag) =	ssettag $0x0;
	lr =	simm.s32 $0x1  }
0x2: {  	[smem:$0x3F9F] =	sst lr;
	_ =	strace $0xD0000000  }
0x3: {  	_ = 	snop  }
0x4: {  	_ = 	snop  }
0x5: {  	_ = 	snop  }
0x6: {  	_ = 	snop  }
0x7: {  	_ = 	snop  }
__scs_overlays_trampoline_lowered:
0x8: {  	[smem:$0x3FAE] =	sst s0  }
0x9: {  	[smem:$0x3FAF] =	sst s1  }
0xa: {  	[smem:$0x3FB0] =	sst s2  }
0xb: {  	[smem:$0x3FB1] =	sst s3  }
0xc: {  	[smem:$0x3FB2] =	sst s4  }
0xd: {  	[smem:$0x3FB3] =	sst s5  }
0xe: {  	[smem:$0x3FB4] =	sst s6  }
0xf: {  	[smem:$0x3FB5] =	sst s7  }
0x10: {  	[smem:$0x3FB6] =	sst s8  }
0x11: {  	[smem:$0x3FB7] =	sst s9;
	s0 =	simm.s32 @!p0 $0x0  }
0x12: {  	s1 =	sld [smem:$0x3F9D];
	s0 =	simm.s32 @p0 $0x1  }
0x13: {  	[smem:$0x3FB8] =	sst s0;
	s0 =	simm.s32 @!p1 $0x0  }
0x14: {  	s2 =	sld [smem:$0x3F9C];
	s0 =	simm.s32 @p1 $0x1  }
0x15: {  	[smem:$0x3FB9] =	sst s0;
	s0 =	simm.s32 @!p2 $0x0  }
0x16: {  	s3 =	sld [smem:$0x3FDB];
	s0 =	simm.s32 @p2 $0x1  }
0x17: {  	s4 =	simm.s32 $0x1BF5;
	[smem:$0x3FBB] =	sst s0  }
0x18: {  	s0 =	sld [smem:$0x3F9E];
	_ =	swait.ge [sflag:s4], $0x0  }
0x19: {  	s7 =	sld [smem:$0x3F9F]  }
0x1a: {  	s8 =	sadd.s32 $0xFFFFE003, lr  }
0x1b: {  	s9 =	sadd.s32 $0xFFFFFEF7, lr;
	s5 =	simm.s32 $0xFFFFFFFF;
	p2 =	slt.u32 s8, $0xFFFFF086  }
0x1c: {  	p1 =	slt.u32 s9, $0xF7A;
	s5 =	simm.s32 @!p2 $0x0  }
0x1d: {  	s5 =	simm.s32 @p1 $0x1;
	p0 =	seq.s32 s7, s2  }
0x1e: {  	s7 =	smul.u32 @!p0 $0xF7A, s2;
	p2 =	seq.s32 @!p0 s5, $0x0  }
0x1f: {  	s9 =	smul.u32 $0xF7A, s1;
	s8 =	simm.s32 @!p0 $0x1BF5;
	p2 =	por !p2, p0  }
0x20: {  	[sflag:s8] =	ssyncset.s32 @!p0 $0xFFFFF086;
	s6 =	sadd.s32 @!p0 s3, s7;
	s7 =	simm.s32 @!p0 $0x108  }
0x21: {  	s3 =	sadd.s32 s3, s9;
	s6 =	sadd.s32 @!p0 $0x88, s6;
	s7 =	simm.s32 @p2 $0x1082  }
0x22: {  	[simem:s7], [sflag:s8] =	dma.local @!p0 [hbm:s6], $0xF7A  }
0x23: {  	s9 =	sor.u32 $0xD0000000, s2;
	s6 =	simm.s32 $0x108;
	_ =	swait.ge @!p0 [sflag:s8], $0x0  }
0x24: {  	s3 =	sadd.s32 $0x88, s3;
	s6 =	simm.s32 @!p1 $0x1082;
	[sflag:s4] =	ssyncset.s32 $0xFFFFF086  }
0x25: {  	[simem:s6], [sflag:s4] =	dma.local [hbm:s3], $0xF7A  }
0x26: {  	[smem:$0x3F9F] =	sst s1;
	(tag) =	ssettag s2;
	_ =	strace s9  }
0x27: {  	s1 =	sld [smem:$0x3FAF]  }
0x28: {  	s2 =	sld [smem:$0x3FB0]  }
0x29: {  	s4 =	sld [smem:$0x3FB2]  }
0x2a: {  	p0 =	seq.s32 s5, $0x0;
	s5 =	sld [smem:$0x3FB3]  }
0x2b: {  	s6 =	sld [smem:$0x3FB4]  }
0x2c: {  	s7 =	sld [smem:$0x3FB5]  }
0x2d: {  	s3 =	simm.s32 $0x108;
	s8 =	sld [smem:$0x3FB6]  }
0x2e: {  	s3 =	simm.s32 @!p0 $0x1082;
	s9 =	sld [smem:$0x3FB7]  }
0x2f: {  	lr =	sadd.s32 s0, s3;
	s0 =	sld [smem:$0x3FAE]  }
0x30: {  	s3 =	sld [smem:$0x3FB1]  }
0x31: {  	[smem:$0x3FBA] =	sst s10  }
0x32: {  	s10 =	sld [smem:$0x3FB8];
	_ =	sdelay $0x3  }
0x33: {  	p0 =	seq.s32 s10, $0x1;
	s10 =	sld [smem:$0x3FBA];
	_ =	sdelay $0x3  }
0x34: {  	[smem:$0x3FBA] =	sst s10  }
0x35: {  	s10 =	sld [smem:$0x3FB9];
	_ =	sdelay $0x3  }
0x36: {  	p1 =	seq.s32 s10, $0x1;
	s10 =	sld [smem:$0x3FBA];
	_ =	sdelay $0x3  }
0x37: {  	[smem:$0x3FBA] =	sst s10  }
0x38: {  	s10 =	sld [smem:$0x3FBB]  }
0x39: {  	_ = 	snop;
	(pc) =	sbr.ind lr, $3  }
0x3a: {  	_ = 	snop  }
0x3b: {  	_ = 	snop  }
0x3c: {  	p2 =	seq.s32 s10, $0x1;
	s10 =	sld [smem:$0x3FBA]  }
0x3d: {  	_ =	shalt  }
0x3e: {  	_ =	shalt  }
0x3f: {  	_ =	shalt  }
0x40: {  	_ =	shalt  }
0x41: {  	_ =	shalt  }
0x42: {  	_ =	shalt  }
0x43: {  	_ =	shalt  }
0x44: {  	_ =	shalt  }
0x45: {  	_ =	shalt  }
0x46: {  	_ =	shalt  }
0x47: {  	_ =	shalt  }
0x48: {  	_ =	shalt  }
0x49: {  	_ =	shalt  }
0x4a: {  	_ =	shalt  }
0x4b: {  	_ =	shalt  }
0x4c: {  	_ =	shalt  }
0x4d: {  	_ =	shalt  }
0x4e: {  	_ =	shalt  }
0x4f: {  	_ =	shalt  }
0x50: {  	_ =	shalt  }
0x51: {  	_ =	shalt  }
0x52: {  	_ =	shalt  }
0x53: {  	_ =	shalt  }
0x54: {  	_ =	shalt  }
0x55: {  	_ =	shalt  }
0x56: {  	_ =	shalt  }
0x57: {  	_ =	shalt  }
0x58: {  	_ =	shalt  }
0x59: {  	_ =	shalt  }
0x5a: {  	_ =	shalt  }
0x5b: {  	_ =	shalt  }
0x5c: {  	_ =	shalt  }
0x5d: {  	_ =	shalt  }
0x5e: {  	_ =	shalt  }
0x5f: {  	_ =	shalt  }
0x60: {  	_ =	shalt  }
0x61: {  	_ =	shalt  }
0x62: {  	_ =	shalt  }
0x63: {  	_ =	shalt  }
0x64: {  	_ =	shalt  }
0x65: {  	_ =	shalt  }
0x66: {  	_ =	shalt  }
0x67: {  	_ =	shalt  }
0x68: {  	_ =	shalt  }
0x69: {  	_ =	shalt  }
0x6a: {  	_ =	shalt  }
0x6b: {  	_ =	shalt  }
0x6c: {  	_ =	shalt  }
0x6d: {  	_ =	shalt  }
0x6e: {  	_ =	shalt  }
0x6f: {  	_ =	shalt  }
0x70: {  	_ =	shalt  }
0x71: {  	_ =	shalt  }
0x72: {  	_ =	shalt  }
0x73: {  	_ =	shalt  }
0x74: {  	_ =	shalt  }
0x75: {  	_ =	shalt  }
0x76: {  	_ =	shalt  }
0x77: {  	_ =	shalt  }
0x78: {  	_ =	shalt  }
0x79: {  	_ =	shalt  }
0x7a: {  	_ =	shalt  }
0x7b: {  	_ =	shalt  }
0x7c: {  	_ =	shalt  }
0x7d: {  	_ =	shalt  }
0x7e: {  	_ =	shalt  }
0x7f: {  	_ =	shalt  }
0x80: {  	_ =	shalt  }
0x81: {  	_ =	shalt  }
0x82: {  	_ =	shalt  }
0x83: {  	_ =	shalt  }
0x84: {  	_ =	shalt  }
0x85: {  	_ =	shalt  }
0x86: {  	_ =	shalt  }
0x87: {  	_ =	shalt  }
.Lfunc_end0:
.L_simem_size_0:
called_computation.1_lowered:
.L_overlay_start_0:
0x88: {  	s2 =	sld [smem:$0x3FD9]  }
0x89: {  	s3 =	sld [smem:$0x3FFE];
	_ =	sdelay $0x1  }
0x8a: {  	s1 =	srdreg.scid  }
0x8b: {  	s0 =	sand.u32 $0x1, s1  }
0x8c: {  	s14 =	sshll.u32 s0, $0xA;
	s2 =	sadd.s32 s3, s2  }
0x8d: {  	s2 =	sadd.s32 s2, s14  }
0x8e: {  	[smem:$0x3FC6] =	sst s2  }
0x8f: {  	_ = 	snop  }
0x90: {  	s2 =	sld [smem:$0x3FD0];
	_ =	sdelay $0x2  }
0x91: {  	s4 =	simm.s32 $0xA;
	s5 =	simm.s32 $0x10;
	s15 =	sld [smem:$0x3FC8]  }
0x92: {  	[smem:s5], [sflag:s4] =	dma.local [hbm:s2], $0x1  }
0x93: {  	_ =	swait.eq [sflag:s4], $0x1  }
0x94: {  	[sflag:s4] =	ssyncset.done $0x0  }
0x95: {  	[sflag:s4] =	ssyncadd.s32 $0xFFFFFFFF  }
0x96: {  	s16 =	sld [smem:$0x10];
	(tm) =	ssettm $0x1  }
0x97: {  	s17 =	sld [smem:$0x3FFB];
	_ =	sdelay $0x3  }
0x98: {  	_ =	strace s17  }
0x99: {  	s4 =	sld [smem:$0x3FFC];
	_ =	sdelay $0x3  }
0x9a: {  	_ =	strace s4  }
0x9b: {  	s4 =	sld [smem:$0x3FFD];
	_ =	sdelay $0x3  }
0x9c: {  	_ =	strace s4  }
0x9d: {  	_ =	strace $0x8FFFFFFF  }
0x9e: {  	s18 =	sld [smem:$0x3FDB];
	_ =	sdelay $0x1  }
0x9f: {  	s19 =	simm.s32 $_scs_section_size  }
0xa0: {  	s6 =	simm.s32 $_size__tile_overlayer_lowered;
	s7 =	simm.s32 $_tile_overlayer_lowered  }
0xa1: {  	s22 =	simm.s32 $0x1BFF;
	s21 =	sshll.u32 s7, $0x1;
	s4 =	sadd.s32 s19, s18  }
0xa2: {  	s8 =	simm.s32 $0x0;
	s20 =	sshll.u32 s6, $0x1;
	s6 =	sadd.s32 s21, s4  }
0xa3: {  	[timem:s8], [sflag:s22] =	dma.local [hbm:s6], s20  }
0xa4: {  	_ =	swait.ge [sflag:s22], s20  }
0xa5: {  	s5 =	ssub.s32 $0x0, s20;
	[sflag:s22] =	ssyncset.done $0x0  }
0xa6: {  	[sflag:s22] =	ssyncadd.s32 s5;
	_ =	sdelay $0x1  }
0xa7: {  	s23 =	simm.s32 $0x1B8B  }
0xa8: {  	_ =	swait.ge [sflag:s23], $0x1  }
0xa9: {  	[sflag:s23] =	ssyncset.done $0x0  }
0xaa: {  	s25 =	simm.s32 $0x1B8E;
	s24 =	sld [smem:$0x3FFE];
	[sflag:s23] =	ssyncadd.s32 $0xFFFFFFFF  }
0xab: {  	s26 =	simm.s32 $execute0_lowered;
	[smem:$0x3FD2] =	sst s25  }
0xac: {  	s6 =	sshll.u32 s26, $0x1;
	_ =	strace $0x80000049;
	[dreg:$0x1] =	wrdreg $0xFFFFFFFF  }
0xad: {  	s28 =	simm.s32 $_size_execute0_lowered;
	s4 =	sadd.s32 s4, s6;
	[dreg:$0x0] =	wrdreg $0x0  }
0xae: {  	s6 =	sshll.u32 s28, $0x1;
	[dreg:$0x2] =	wrdreg s4  }
0xaf: {  	[dreg:$0x3] =	wrdreg s6  }
0xb0: {  	[dreg:$0x4] =	wrdreg $0xC0  }
0xb1: {  	_ =	task [dreg:s8], $0x5FFFF  }
0xb2: {  	[dreg:$0x1] =	wrdreg $0xFFFFFFFF  }
0xb3: {  	[dreg:$0x0] =	wrdreg $0x60  }
0xb4: {  	[dreg:$0x2] =	wrdreg s15  }
0xb5: {  	[dreg:$0x3] =	wrdreg s24  }
0xb6: {  	[dreg:$0x4] =	wrdreg s16  }
0xb7: {  	[dreg:$0x5] =	wrdreg $0x9  }
0xb8: {  	_ =	task.clear_ibuf [dreg:s8], $0x6FFFF;
	_ =	strace $0x90000049  }
0xb9: {  	s29 =	simm.s32 $0x9;
	_ =	strace $0x8000004B  }
0xba: {  	_ =	swait.ge [sflag:s29], $0x1  }
0xbb: {  	[sflag:s29] =	ssyncadd.s32 $0xFFFFFFFF  }
0xbc: {  	_ =	strace $0x9000004B  }
0xbd: {  	_ =	sfence  }
0xbe: {  	s30 =	sld [smem:$0x0];
	_ =	sdelay $0x2  }
0xbf: {  	s31 =	sshll.u32 s1, $0xD;
	s1 =	sshrl.u32 s1, $0x2  }
0xc0: {  	s3 =	sand.u32 $0x4000, s31;
	s1 =	sadd.s32 s1, s30  }
0xc1: {  	s0 =	sor.u32 s3, s0;
	s1 =	sshll.u32 s1, $0x11  }
0xc2: {  	s0 =	sor.u32 s1, s0  }
0xc3: {  	s0 =	sadd.s32 $0x8F2B, s0  }
0xc4: {  	[sflag:s0] =	ssyncadd.remote.s32 $0x1  }
0xc5: {  	_ =	sfence.sel $0xFFFF  }
0xc6: {  	[dreg:$0x0] =	wrdreg $0xFFFFFFFF;
	(pc) =	sbr.abs _section_cstart, $3  }
0xc7: {  	[dreg:$0x1] =	wrdreg $0xFFFFFFFF  }
0xc8: {  	_ =	task.clear_ibuf [dreg:s8], $0x2FFFF;
	_ =	strace $0x9FFFFFFF  }
0xc9: {  	(tm) =	ssettm $0x7FFFFFFF  }
tec
execute0_lowered:
.L_overlay_start_1:
0x0: {  	(tag) =	ssettag $0x1  }
0x1: {  	s4 =	rddreg [dreg:$0x0]  }
0x2: {  	s5 =	rddreg [dreg:$0x1]  }
0x3: {  	s2 =	rddreg [dreg:$0x2]  }
0x4: {  	s0 =	rddreg [dreg:$0x3]  }
0x5: {  	s6 =	srdreg.scid;
	s3 =	simm.s32 $0x0;
	s1 =	stileid.u32  }
0x6: {  	s9 =	simm.s32 $0x100;
	s10 =	simm.s32 $0x900;
	s11 =	simm.s32 $0x1100  }
0x7: {  	s12 =	simm.s32 $0x1900;
	s13 =	simm.s32 $0x2100;
	s14 =	simm.s32 $0x2900  }
0x8: {  	s15 =	simm.s32 $0x3100;
	s16 =	simm.s32 $0x3900;
	s17 =	simm.s32 $0x4100  }
0x9: {  	s18 =	simm.s32 $0x4900;
	s19 =	simm.s32 $0x5100;
	s20 =	simm.s32 $0x5900  }
0xa: {  	s21 =	simm.s32 $0x6100;
	s22 =	simm.s32 $0x6900;
	s23 =	simm.s32 $0x7100  }
0xb: {  	s24 =	simm.s32 $0x7900;
	s6 =	sand.u32 $0x1, s6;
	[smem:$0x7FF] =	sst s3  }
0xc: {  	s7 =	sshll.u32 s1, $0x9;
	s8 =	sshll.u32 s6, $0x8;
	s6 =	ssub.s32 $0x2, s6  }
0xd: {  	_ =	strace $0x8000004A;
	s7 =	sor.u32 s8, s7;
	s30 =	sshrl.u32 s6, $0x1  }
0xe: {  	v2 =	vlaneseq.u32;
	s8 =	sshrl.u32 s7, $0x3;
	s7 =	sshll.u32 s7, $0x5;
	s31 =	ssub.s32 s6, s30  }
0xf: {  	vm0 =	vmmov $0xffff;
	v1 =	vshrl.u32 v2, $0x3;
	s5 =	sadd.s32 s8, s5;
	s4 =	sadd.s32 s4, s7;
	s7 =	smax.u32 s31, $0x1  }
0x10: {  	v0 =	vand.u32 $0x7, v2;
	v2 =	vor.u32 $0x8, v2;
	v1 =	vmul.u32 $0x8, v1;
	s8 =	simm.s32 $0x1;
	s5 =	sadd.s32 $0x1E00, s5;
	s6 =	sadd.s32 $0x1000, s4  }
.LBB2_1:
0x11: {  	[tilespmem:s3], [sflag:$0x1] =	stream.linear.gather [hbm4b:s5+s3], $0x100, $0x38;
	[tilespmem:$0x8100] =	vst v63  }
0x12: {  	_ =	swait.ge [sflag:s8], $0x100  }
0x13: {  	[sflag:s8] =	ssyncset.done $0x0  }
0x14: {  	[sflag:s8] =	ssyncadd.s32 $0xFFFFFF00  }
0x15: {  	[tilespmem:s9], [sflag:$0x1] =	stream.linear.gather [hbm4b:s4+s3], $0x8000, $0x38;
	[tilespmem:$0x8100] =	vst v63  }
0x16: {  	_ =	swait.ge [sflag:s8], $0x8000  }
0x17: {  	[sflag:s8] =	ssyncset.done $0x0  }
0x18: {  	[sflag:s8] =	ssyncadd.s32 $0xFFFF8000  }
0x19: {  	v3 =	vld [tilespmem:$0x0];
	_ =	sdelay $0x4  }
0x1a: {  	v4 =	vshll.u32 v3, $0x1  }
0x1b: {  	v3 =	vand.u32 $0x7, v3;
	v4 =	vand.u32 $0xFFFFFFF0, v4  }
0x1c: {  	v3 =	vor.u32 v3, v4  }
0x1d: {  	v4 =	vperm.xlane v3, v0;
	_ =	sdelay $0x1  }
0x1e: {  	v3 =	vperm.xlane v3, v2;
	v4 =	vadd.s32 v1, v4;
	_ =	sdelay $0x1  }
0x1f: {  	v3 =	vadd.s32 v1, v3;
	_ =	sdelay $0x2  }
0x20: {  	[hbm4b:s2+s3] =	stream.indirect_vreg.scatter [tilespmem:s9], [sflag:$0x1], $0x80, v4, vm0, $0xb8;
	[tilespmem:$0x8100] =	vst v63  }
0x21: {  	_ = 	snop  }
0x22: {  	[hbm4b:s2+s3] =	stream.indirect_vreg.scatter [tilespmem:s10], [sflag:$0x1], $0x80, v3, vm0, $0xb8;
	[tilespmem:$0x8100] =	vst v63  }
0x23: {  	v3 =	vld [tilespmem:$0x10];
	_ =	sdelay $0x4  }
0x24: {  	v49 =	vshll.u32 v3, $0x1  }
0x25: {  	v3 =	vand.u32 $0x7, v3;
	v4 =	vand.u32 $0xFFFFFFF0, v49  }
0x26: {  	v3 =	vor.u32 v3, v4  }
0x27: {  	v4 =	vperm.xlane v3, v0;
	_ =	sdelay $0x1  }
0x28: {  	v3 =	vperm.xlane v3, v2;
	v4 =	vadd.s32 v1, v4;
	_ =	sdelay $0x1  }
0x29: {  	v3 =	vadd.s32 v1, v3;
	_ =	sdelay $0x2  }
0x2a: {  	[hbm4b:s2+s3] =	stream.indirect_vreg.scatter [tilespmem:s11], [sflag:$0x1], $0x80, v4, vm0, $0xb8;
	[tilespmem:$0x8100] =	vst v63  }
0x2b: {  	_ = 	snop  }
0x2c: {  	[hbm4b:s2+s3] =	stream.indirect_vreg.scatter [tilespmem:s12], [sflag:$0x1], $0x80, v3, vm0, $0xb8;
	[tilespmem:$0x8100] =	vst v63  }
0x2d: {  	v3 =	vld [tilespmem:$0x20];
	_ =	sdelay $0x4  }
0x2e: {  	v50 =	vshll.u32 v3, $0x1  }
0x2f: {  	v3 =	vand.u32 $0x7, v3;
	v4 =	vand.u32 $0xFFFFFFF0, v50  }
0x30: {  	v3 =	vor.u32 v3, v4  }
0x31: {  	v4 =	vperm.xlane v3, v0;
	_ =	sdelay $0x1  }
0x32: {  	v3 =	vperm.xlane v3, v2;
	v4 =	vadd.s32 v1, v4;
	_ =	sdelay $0x1  }
0x33: {  	v3 =	vadd.s32 v1, v3;
	_ =	sdelay $0x2  }
0x34: {  	[hbm4b:s2+s3] =	stream.indirect_vreg.scatter [tilespmem:s13], [sflag:$0x1], $0x80, v4, vm0, $0xb8;
	[tilespmem:$0x8100] =	vst v63  }
0x35: {  	_ = 	snop  }
0x36: {  	[hbm4b:s2+s3] =	stream.indirect_vreg.scatter [tilespmem:s14], [sflag:$0x1], $0x80, v3, vm0, $0xb8;
	[tilespmem:$0x8100] =	vst v63  }
0x37: {  	v3 =	vld [tilespmem:$0x30];
	_ =	sdelay $0x4  }
0x38: {  	v51 =	vshll.u32 v3, $0x1  }
0x39: {  	v3 =	vand.u32 $0x7, v3;
	v4 =	vand.u32 $0xFFFFFFF0, v51  }
0x3a: {  	v3 =	vor.u32 v3, v4  }
0x3b: {  	v4 =	vperm.xlane v3, v0;
	_ =	sdelay $0x1  }
0x3c: {  	v3 =	vperm.xlane v3, v2;
	v4 =	vadd.s32 v1, v4;
	_ =	sdelay $0x1  }
0x3d: {  	v3 =	vadd.s32 v1, v3;
	_ =	sdelay $0x2  }
0x3e: {  	[hbm4b:s2+s3] =	stream.indirect_vreg.scatter [tilespmem:s15], [sflag:$0x1], $0x80, v4, vm0, $0xb8;
	[tilespmem:$0x8100] =	vst v63  }
0x3f: {  	_ = 	snop  }
0x40: {  	[hbm4b:s2+s3] =	stream.indirect_vreg.scatter [tilespmem:s16], [sflag:$0x1], $0x80, v3, vm0, $0xb8;
	[tilespmem:$0x8100] =	vst v63  }
0x41: {  	v3 =	vld [tilespmem:$0x40];
	_ =	sdelay $0x4  }
0x42: {  	v52 =	vshll.u32 v3, $0x1  }
0x43: {  	v3 =	vand.u32 $0x7, v3;
	v4 =	vand.u32 $0xFFFFFFF0, v52  }
0x44: {  	v3 =	vor.u32 v3, v4  }
0x45: {  	v4 =	vperm.xlane v3, v0;
	_ =	sdelay $0x1  }
0x46: {  	v3 =	vperm.xlane v3, v2;
	v4 =	vadd.s32 v1, v4;
	_ =	sdelay $0x1  }
0x47: {  	v3 =	vadd.s32 v1, v3;
	_ =	sdelay $0x2  }
0x48: {  	[hbm4b:s2+s3] =	stream.indirect_vreg.scatter [tilespmem:s17], [sflag:$0x1], $0x80, v4, vm0, $0xb8;
	[tilespmem:$0x8100] =	vst v63  }
0x49: {  	_ = 	snop  }
0x4a: {  	[hbm4b:s2+s3] =	stream.indirect_vreg.scatter [tilespmem:s18], [sflag:$0x1], $0x80, v3, vm0, $0xb8;
	[tilespmem:$0x8100] =	vst v63  }
0x4b: {  	v3 =	vld [tilespmem:$0x50];
	_ =	sdelay $0x4  }
0x4c: {  	v53 =	vshll.u32 v3, $0x1  }
0x4d: {  	v3 =	vand.u32 $0x7, v3;
	v4 =	vand.u32 $0xFFFFFFF0, v53  }
0x4e: {  	v3 =	vor.u32 v3, v4  }
0x4f: {  	v4 =	vperm.xlane v3, v0;
	_ =	sdelay $0x1  }
0x50: {  	v3 =	vperm.xlane v3, v2;
	v4 =	vadd.s32 v1, v4;
	_ =	sdelay $0x1  }
0x51: {  	v3 =	vadd.s32 v1, v3;
	_ =	sdelay $0x2  }
0x52: {  	[hbm4b:s2+s3] =	stream.indirect_vreg.scatter [tilespmem:s19], [sflag:$0x1], $0x80, v4, vm0, $0xb8;
	[tilespmem:$0x8100] =	vst v63  }
0x53: {  	_ = 	snop  }
0x54: {  	[hbm4b:s2+s3] =	stream.indirect_vreg.scatter [tilespmem:s20], [sflag:$0x1], $0x80, v3, vm0, $0xb8;
	[tilespmem:$0x8100] =	vst v63  }
0x55: {  	v3 =	vld [tilespmem:$0x60];
	_ =	sdelay $0x4  }
0x56: {  	v54 =	vshll.u32 v3, $0x1  }
0x57: {  	v3 =	vand.u32 $0x7, v3;
	v4 =	vand.u32 $0xFFFFFFF0, v54  }
0x58: {  	v3 =	vor.u32 v3, v4  }
0x59: {  	v4 =	vperm.xlane v3, v0;
	_ =	sdelay $0x1  }
0x5a: {  	v3 =	vperm.xlane v3, v2;
	v4 =	vadd.s32 v1, v4;
	_ =	sdelay $0x1  }
0x5b: {  	v3 =	vadd.s32 v1, v3;
	_ =	sdelay $0x2  }
0x5c: {  	[hbm4b:s2+s3] =	stream.indirect_vreg.scatter [tilespmem:s21], [sflag:$0x1], $0x80, v4, vm0, $0xb8;
	[tilespmem:$0x8100] =	vst v63  }
0x5d: {  	_ = 	snop  }
0x5e: {  	[hbm4b:s2+s3] =	stream.indirect_vreg.scatter [tilespmem:s22], [sflag:$0x1], $0x80, v3, vm0, $0xb8;
	[tilespmem:$0x8100] =	vst v63  }
0x5f: {  	v3 =	vld [tilespmem:$0x70];
	_ =	sdelay $0x4  }
0x60: {  	v55 =	vshll.u32 v3, $0x1  }
0x61: {  	v3 =	vand.u32 $0x7, v3;
	v4 =	vand.u32 $0xFFFFFFF0, v55  }
0x62: {  	v3 =	vor.u32 v3, v4  }
0x63: {  	v4 =	vperm.xlane v3, v0;
	_ =	sdelay $0x1  }
0x64: {  	v3 =	vperm.xlane v3, v2;
	v4 =	vadd.s32 v1, v4;
	_ =	sdelay $0x1  }
0x65: {  	v3 =	vadd.s32 v1, v3;
	_ =	sdelay $0x2  }
0x66: {  	[hbm4b:s2+s3] =	stream.indirect_vreg.scatter [tilespmem:s23], [sflag:$0x1], $0x80, v4, vm0, $0xb8;
	[tilespmem:$0x8100] =	vst v63  }
0x67: {  	_ = 	snop  }
0x68: {  	[hbm4b:s2+s3] =	stream.indirect_vreg.scatter [tilespmem:s24], [sflag:$0x1], $0x80, v3, vm0, $0xb8;
	[tilespmem:$0x8100] =	vst v63  }
0x69: {  	_ =	swait.ge [sflag:s8], $0x8000  }
0x6a: {  	[sflag:s8] =	ssyncset.done $0x0  }
0x6b: {  	[sflag:s8] =	ssyncadd.s32 $0xFFFF8000  }
0x6c: {  	[tilespmem:s9], [sflag:$0x1] =	stream.linear.gather [hbm4b:s6+s3], $0x8000, $0x38;
	[tilespmem:$0x8100] =	vst v63  }
0x6d: {  	_ =	swait.ge [sflag:s8], $0x8000  }
0x6e: {  	[sflag:s8] =	ssyncset.done $0x0  }
0x6f: {  	[sflag:s8] =	ssyncadd.s32 $0xFFFF8000  }
0x70: {  	v3 =	vld [tilespmem:$0x80];
	_ =	sdelay $0x4  }
0x71: {  	v56 =	vshll.u32 v3, $0x1  }
0x72: {  	v3 =	vand.u32 $0x7, v3;
	v4 =	vand.u32 $0xFFFFFFF0, v56  }
0x73: {  	v3 =	vor.u32 v3, v4  }
0x74: {  	v4 =	vperm.xlane v3, v0;
	_ =	sdelay $0x1  }
0x75: {  	v3 =	vperm.xlane v3, v2;
	v4 =	vadd.s32 v1, v4;
	_ =	sdelay $0x1  }
0x76: {  	v3 =	vadd.s32 v1, v3;
	_ =	sdelay $0x2  }
0x77: {  	[hbm4b:s2+s3] =	stream.indirect_vreg.scatter [tilespmem:s9], [sflag:$0x1], $0x80, v4, vm0, $0xb8;
	[tilespmem:$0x8100] =	vst v63  }
0x78: {  	_ = 	snop  }
0x79: {  	[hbm4b:s2+s3] =	stream.indirect_vreg.scatter [tilespmem:s10], [sflag:$0x1], $0x80, v3, vm0, $0xb8;
	[tilespmem:$0x8100] =	vst v63  }
0x7a: {  	v3 =	vld [tilespmem:$0x90];
	_ =	sdelay $0x4  }
0x7b: {  	v57 =	vshll.u32 v3, $0x1  }
0x7c: {  	v3 =	vand.u32 $0x7, v3;
	v4 =	vand.u32 $0xFFFFFFF0, v57  }
0x7d: {  	v3 =	vor.u32 v3, v4  }
0x7e: {  	v4 =	vperm.xlane v3, v0;
	_ =	sdelay $0x1  }
0x7f: {  	v3 =	vperm.xlane v3, v2;
	v4 =	vadd.s32 v1, v4;
	_ =	sdelay $0x1  }
0x80: {  	v3 =	vadd.s32 v1, v3;
	_ =	sdelay $0x2  }
0x81: {  	[hbm4b:s2+s3] =	stream.indirect_vreg.scatter [tilespmem:s11], [sflag:$0x1], $0x80, v4, vm0, $0xb8;
	[tilespmem:$0x8100] =	vst v63  }
0x82: {  	_ = 	snop  }
0x83: {  	[hbm4b:s2+s3] =	stream.indirect_vreg.scatter [tilespmem:s12], [sflag:$0x1], $0x80, v3, vm0, $0xb8;
	[tilespmem:$0x8100] =	vst v63  }
0x84: {  	v3 =	vld [tilespmem:$0xA0];
	_ =	sdelay $0x4  }
0x85: {  	v58 =	vshll.u32 v3, $0x1  }
0x86: {  	v3 =	vand.u32 $0x7, v3;
	v4 =	vand.u32 $0xFFFFFFF0, v58  }
0x87: {  	v3 =	vor.u32 v3, v4  }
0x88: {  	v4 =	vperm.xlane v3, v0;
	_ =	sdelay $0x1  }
0x89: {  	v3 =	vperm.xlane v3, v2;
	v4 =	vadd.s32 v1, v4;
	_ =	sdelay $0x1  }
0x8a: {  	v3 =	vadd.s32 v1, v3;
	_ =	sdelay $0x2  }
0x8b: {  	[hbm4b:s2+s3] =	stream.indirect_vreg.scatter [tilespmem:s13], [sflag:$0x1], $0x80, v4, vm0, $0xb8;
	[tilespmem:$0x8100] =	vst v63  }
0x8c: {  	_ = 	snop  }
0x8d: {  	[hbm4b:s2+s3] =	stream.indirect_vreg.scatter [tilespmem:s14], [sflag:$0x1], $0x80, v3, vm0, $0xb8;
	[tilespmem:$0x8100] =	vst v63  }
0x8e: {  	v3 =	vld [tilespmem:$0xB0];
	_ =	sdelay $0x4  }
0x8f: {  	v59 =	vshll.u32 v3, $0x1  }
0x90: {  	v3 =	vand.u32 $0x7, v3;
	v4 =	vand.u32 $0xFFFFFFF0, v59  }
0x91: {  	v3 =	vor.u32 v3, v4  }
0x92: {  	v4 =	vperm.xlane v3, v0;
	_ =	sdelay $0x1  }
0x93: {  	v3 =	vperm.xlane v3, v2;
	v4 =	vadd.s32 v1, v4;
	_ =	sdelay $0x1  }
0x94: {  	v3 =	vadd.s32 v1, v3;
	_ =	sdelay $0x2  }
0x95: {  	[hbm4b:s2+s3] =	stream.indirect_vreg.scatter [tilespmem:s15], [sflag:$0x1], $0x80, v4, vm0, $0xb8;
	[tilespmem:$0x8100] =	vst v63  }
0x96: {  	_ = 	snop  }
0x97: {  	[hbm4b:s2+s3] =	stream.indirect_vreg.scatter [tilespmem:s16], [sflag:$0x1], $0x80, v3, vm0, $0xb8;
	[tilespmem:$0x8100] =	vst v63  }
0x98: {  	v3 =	vld [tilespmem:$0xC0];
	_ =	sdelay $0x4  }
0x99: {  	v60 =	vshll.u32 v3, $0x1  }
0x9a: {  	v3 =	vand.u32 $0x7, v3;
	v4 =	vand.u32 $0xFFFFFFF0, v60  }
0x9b: {  	v3 =	vor.u32 v3, v4  }
0x9c: {  	v4 =	vperm.xlane v3, v0;
	_ =	sdelay $0x1  }
0x9d: {  	v3 =	vperm.xlane v3, v2;
	v4 =	vadd.s32 v1, v4;
	_ =	sdelay $0x1  }
0x9e: {  	v3 =	vadd.s32 v1, v3;
	_ =	sdelay $0x2  }
0x9f: {  	[hbm4b:s2+s3] =	stream.indirect_vreg.scatter [tilespmem:s17], [sflag:$0x1], $0x80, v4, vm0, $0xb8;
	[tilespmem:$0x8100] =	vst v63  }
0xa0: {  	_ = 	snop  }
0xa1: {  	[hbm4b:s2+s3] =	stream.indirect_vreg.scatter [tilespmem:s18], [sflag:$0x1], $0x80, v3, vm0, $0xb8;
	[tilespmem:$0x8100] =	vst v63  }
0xa2: {  	v3 =	vld [tilespmem:$0xD0];
	_ =	sdelay $0x4  }
0xa3: {  	v61 =	vshll.u32 v3, $0x1  }
0xa4: {  	v3 =	vand.u32 $0x7, v3;
	v4 =	vand.u32 $0xFFFFFFF0, v61  }
0xa5: {  	v3 =	vor.u32 v3, v4  }
0xa6: {  	v4 =	vperm.xlane v3, v0;
	_ =	sdelay $0x1  }
0xa7: {  	v3 =	vperm.xlane v3, v2;
	v4 =	vadd.s32 v1, v4;
	_ =	sdelay $0x1  }
0xa8: {  	v3 =	vadd.s32 v1, v3;
	_ =	sdelay $0x2  }
0xa9: {  	[hbm4b:s2+s3] =	stream.indirect_vreg.scatter [tilespmem:s19], [sflag:$0x1], $0x80, v4, vm0, $0xb8;
	[tilespmem:$0x8100] =	vst v63  }
0xaa: {  	_ = 	snop  }
0xab: {  	[hbm4b:s2+s3] =	stream.indirect_vreg.scatter [tilespmem:s20], [sflag:$0x1], $0x80, v3, vm0, $0xb8;
	[tilespmem:$0x8100] =	vst v63  }
0xac: {  	v3 =	vld [tilespmem:$0xE0];
	_ =	sdelay $0x4  }
0xad: {  	v62 =	vshll.u32 v3, $0x1  }
0xae: {  	v3 =	vand.u32 $0x7, v3;
	v4 =	vand.u32 $0xFFFFFFF0, v62  }
0xaf: {  	v3 =	vor.u32 v3, v4  }
0xb0: {  	v4 =	vperm.xlane v3, v0;
	_ =	sdelay $0x1  }
0xb1: {  	v3 =	vperm.xlane v3, v2;
	v4 =	vadd.s32 v1, v4;
	_ =	sdelay $0x1  }
0xb2: {  	v3 =	vadd.s32 v1, v3;
	_ =	sdelay $0x2  }
0xb3: {  	[hbm4b:s2+s3] =	stream.indirect_vreg.scatter [tilespmem:s21], [sflag:$0x1], $0x80, v4, vm0, $0xb8;
	[tilespmem:$0x8100] =	vst v63  }
0xb4: {  	_ = 	snop  }
0xb5: {  	[hbm4b:s2+s3] =	stream.indirect_vreg.scatter [tilespmem:s22], [sflag:$0x1], $0x80, v3, vm0, $0xb8;
	[tilespmem:$0x8100] =	vst v63  }
0xb6: {  	v3 =	vld [tilespmem:$0xF0];
	_ =	sdelay $0x4  }
0xb7: {  	v63 =	vshll.u32 v3, $0x1  }
0xb8: {  	v3 =	vand.u32 $0x7, v3;
	v4 =	vand.u32 $0xFFFFFFF0, v63  }
0xb9: {  	v3 =	vor.u32 v3, v4  }
0xba: {  	v4 =	vperm.xlane v3, v0;
	_ =	sdelay $0x1  }
0xbb: {  	v3 =	vperm.xlane v3, v2;
	v4 =	vadd.s32 v1, v4;
	_ =	sdelay $0x1  }
0xbc: {  	v3 =	vadd.s32 v1, v3;
	_ =	sdelay $0x1  }
0xbd: {  	p0 =	sne.s32 s7, $0x1  }
0xbe: {  	[hbm4b:s2+s3] =	stream.indirect_vreg.scatter [tilespmem:s23], [sflag:$0x1], $0x80, v4, vm0, $0xb8;
	[tilespmem:$0x8100] =	vst v63  }
.Ltmp0:
0xbf: {  	_ = 	snop;
	(pc) =	sbr.rel @p0 .LBB2_1-.Ltmp0, $4  }
0xc0: {  	[hbm4b:s2+s3] =	stream.indirect_vreg.scatter [tilespmem:s24], [sflag:$0x1], $0x80, v3, vm0, $0xb8;
	[tilespmem:$0x8100] =	vst v63  }
0xc1: {  	_ =	swait.ge [sflag:s8], $0x8000  }
0xc2: {  	[sflag:s8] =	ssyncset.done $0x0  }
0xc3: {  	s7 =	sadd.s32 $0xFFFFFFFF, s7;
	[sflag:s8] =	ssyncadd.s32 $0xFFFF8000  }
0xc4: {  	_ =	sfence.sel $0x180000  }
0xc5: {  	[bflag:$0x0] =	sbarrier.arrive $0xFFFF  }
0xc6: {  	p0 =	sne.s32 s1, $0x0;
	_ =	strace $0x9000004A  }
0xc7: {  	s0 =	sadd.s32 @!p0 $0x100000, s0;
	[bflag:$0x2] =	sbarrier.arrive $0xFFFF  }
0xc8: {  	[sflag:s0] =	ssyncadd.tile.s32 @!p0 $0x1;
	_ =	shalt  }
.Lfunc_end2:
_tile_overlayer_lowered:
.L_overlay_start_2:
0xc9: {  	(tag) =	ssettag $0x2  }
0xca: {  	s0 =	rddreg [dreg:$0x0];
	s2 =	stileid.u32  }
0xcb: {  	s1 =	rddreg [dreg:$0x1];
	p0 =	sne.s32 s2, $0x0  }
0xcc: {  	s3 =	rddreg [dreg:$0x2];
	[bflag:$0x3] =	sbarrier.arrive $0xFFFF;
	s2 =	simm.s32 @!p0 $0x1C01  }
0xcd: {  	[timem:s3], [sflag:s2] =	dma.local @!p0 [hbm:s0], s1  }
0xce: {  	s0 =	simm.s32 @!p0 $0x1  }
0xcf: {  	_ =	swait.ge @!p0 [sflag:s0], s1  }
0xd0: {  	s1 =	ssub.s32 @!p0 $0x0, s1;
	[sflag:s0] =	ssyncset.done @!p0 $0x0  }
0xd1: {  	[sflag:s0] =	ssyncadd.s32 @!p0 s1  }
0xd2: {  	[bflag:$0x3] =	sbarrier.arrive $0xFFFF  }
0xd3: {  	_ =	shalt  }

</sc_bundles>
